<compile_context>
chip_gen: v7x
topology: tpu7x:2x2x1
jax: 0.10.2.dev20260603
libtpu: 0.0.44.dev20260713+nightly
codegen_flags: <defaults>
</compile_context>

<pallas_src>
import functools

import jax
import jax.numpy as jnp
from jax import lax
from jax.experimental import pallas as pl
from jax.experimental.pallas import tpu as pltpu
from jax.experimental.pallas import tpu_sc as plsc

V = 10000
E = 320000
FIN = 128
H = 4
COUT = 32
HC = H * COUT
NEG_SLOPE = 0.2

NC = 2
NS = 16
NW = NC * NS
EPT = E // NW
EB = 80
NBLK = EPT // EB
NG = EB // 16
VP = 10240
RPT = VP // NS

_ROWS = 1000



def _node_mm_body(x_ref, w_ref, a16_ref, z_ref, e16_ref):
    z = jnp.dot(x_ref[...], w_ref[...], preferred_element_type=jnp.float32)
    z_ref[...] = z
    e16_ref[...] = jnp.dot(z, a16_ref[...], preferred_element_type=jnp.float32)


def _node_mm(x, w, a16):
    return pl.pallas_call(
        _node_mm_body,
        grid=(V // _ROWS,),
        in_specs=[
            pl.BlockSpec((_ROWS, FIN), lambda i: (i, 0)),
            pl.BlockSpec((FIN, HC), lambda i: (0, 0)),
            pl.BlockSpec((FIN, 16), lambda i: (0, 0)),
        ],
        out_specs=[
            pl.BlockSpec((_ROWS, HC), lambda i: (i, 0)),
            pl.BlockSpec((_ROWS, 16), lambda i: (i, 0)),
        ],
        out_shape=[
            jax.ShapeDtypeStruct((V, HC), jnp.float32),
            jax.ShapeDtypeStruct((V, 16), jnp.float32),
        ],
    )(x, w, a16)



def _sc_edge_body(z_hbm, e16_hbm, src_hbm, dst_hbm, outz_hbm, outw_hbm,
                  srcv0, dstv0, zblk0, esblk0, edblk0, wblk0,
                  srcv1, dstv1, zblk1, esblk1, edblk1, wblk1,
                  aggz, aggw, sem0, sem1):
    c = lax.axis_index("c")
    s = lax.axis_index("s")
    wid = c * NS + s
    bufA = (srcv0, dstv0, zblk0, esblk0, edblk0, wblk0, sem0)
    bufB = (srcv1, dstv1, zblk1, esblk1, edblk1, wblk1, sem1)

    def _vgather(vec, idx):
        return lax.gather(
            vec, idx[:, None],
            lax.GatherDimensionNumbers(
                offset_dims=(), collapsed_slice_dims=(0,),
                start_index_map=(0,)),
            (1,), mode=lax.GatherScatterMode.PROMISE_IN_BOUNDS)

    def _zero_row(i, _):
        for j in range(FIN // 16):
            zblk0[i, pl.ds(j * 16, 16)] = jnp.zeros((16,), jnp.float32)
        wblk0[i, pl.ds(0, 16)] = jnp.zeros((16,), jnp.float32)
        return 0

    lax.fori_loop(0, EB, _zero_row, 0)

    rbase = s * RPT
    for j in range(RPT // EB):
        pltpu.sync_copy(zblk0, aggz.at[pl.ds(rbase + j * EB, EB)])
        pltpu.sync_copy(wblk0, aggw.at[pl.ds(rbase + j * EB, EB)])
    plsc.subcore_barrier()

    def _issue(k, buf):
        srcv, dstv, zblk, esblk, edblk, _, sem = buf
        base = wid * EPT + k * EB
        pltpu.sync_copy(src_hbm.at[pl.ds(base, EB)], srcv)
        pltpu.sync_copy(dst_hbm.at[pl.ds(base, EB)], dstv)
        pltpu.async_copy(z_hbm.at[srcv], zblk, sem)
        pltpu.async_copy(e16_hbm.at[srcv], esblk, sem)
        pltpu.async_copy(e16_hbm.at[dstv], edblk, sem)

    def _drain(buf):
        srcv, dstv, zblk, esblk, edblk, _, sem = buf
        pltpu.make_async_copy(z_hbm.at[srcv], zblk, sem).wait()
        pltpu.make_async_copy(e16_hbm.at[srcv], esblk, sem).wait()
        pltpu.make_async_copy(e16_hbm.at[dstv], edblk, sem).wait()

    def _process(buf):
        srcv, dstv, zblk, esblk, edblk, wblk, sem = buf

        @plsc.parallel_loop(0, EB, step=1, unroll=2)
        def _edge(e):
            lanes = lax.iota(jnp.int32, 16)
            shift8 = jnp.where(lanes < 8, lanes + 8, lanes)
            es = esblk[e, pl.ds(0, 16)]
            ed = _vgather(edblk[e, pl.ds(0, 16)], shift8)
            t = es + ed
            t = jnp.maximum(t, t * NEG_SLOPE)
            w = jnp.where(lanes < H, jnp.exp(t), 0.0)
            wblk[e, pl.ds(0, 16)] = w

        pltpu.sync_copy(zblk, aggz.at[dstv], add=True)
        pltpu.sync_copy(wblk, aggw.at[dstv], add=True)

    _issue(0, bufA)

    def _pair(p, _):
        _issue(2 * p + 1, bufB)
        _drain(bufA)
        _process(bufA)
        _issue(2 * p + 2, bufA)
        _drain(bufB)
        _process(bufB)
        return 0

    lax.fori_loop(0, (NBLK - 1) // 2, _pair, 0)
    _drain(bufA)
    _process(bufA)
    plsc.subcore_barrier()

    pltpu.sync_copy(aggz.at[pl.ds(rbase, RPT)],
                    outz_hbm.at[c, pl.ds(rbase, RPT)])
    pltpu.sync_copy(aggw.at[pl.ds(rbase, RPT)],
                    outw_hbm.at[c, pl.ds(rbase, RPT)])


def _sc_edge(z, e16, src, dst):
    mesh = plsc.VectorSubcoreMesh(core_axis_name="c", subcore_axis_name="s")
    f = pl.kernel(
        _sc_edge_body,
        out_type=(
            jax.ShapeDtypeStruct((NC, VP, HC), jnp.float32),
            jax.ShapeDtypeStruct((NC, VP, 16), jnp.float32),
        ),
        mesh=mesh,
        compiler_params=pltpu.CompilerParams(use_tc_tiling_on_sc=False),
        scratch_types=[
            pltpu.VMEM((EB,), jnp.int32),
            pltpu.VMEM((EB,), jnp.int32),
            pltpu.VMEM((EB, FIN), jnp.float32),
            pltpu.VMEM((EB, 16), jnp.float32),
            pltpu.VMEM((EB, 16), jnp.float32),
            pltpu.VMEM((EB, 16), jnp.float32),
            pltpu.VMEM((EB,), jnp.int32),
            pltpu.VMEM((EB,), jnp.int32),
            pltpu.VMEM((EB, FIN), jnp.float32),
            pltpu.VMEM((EB, 16), jnp.float32),
            pltpu.VMEM((EB, 16), jnp.float32),
            pltpu.VMEM((EB, 16), jnp.float32),
            pltpu.VMEM_SHARED((VP, HC), jnp.float32),
            pltpu.VMEM_SHARED((VP, 16), jnp.float32),
            pltpu.SemaphoreType.DMA,
            pltpu.SemaphoreType.DMA,
        ],
    )
    return f(z, e16, src, dst)



def _finalize_body(zr, wr, br, out_ref):
    num = zr[0] + zr[1]
    den = wr[0] + wr[1]
    den_b = jnp.dot(den, br[...],
                    preferred_element_type=jnp.float32)
    r = num / (den_b + 1e-9)
    out_ref[...] = jnp.where(r > 0, r, jnp.exp(jnp.minimum(r, 0.0)) - 1.0)


def _finalize(outz, outw, brep):
    return pl.pallas_call(
        _finalize_body,
        grid=(V // _ROWS,),
        in_specs=[
            pl.BlockSpec((NC, _ROWS, HC), lambda i: (0, i, 0)),
            pl.BlockSpec((NC, _ROWS, 16), lambda i: (0, i, 0)),
            pl.BlockSpec((16, HC), lambda i: (0, 0)),
        ],
        out_specs=pl.BlockSpec((_ROWS, HC), lambda i: (i, 0)),
        out_shape=jax.ShapeDtypeStruct((V, HC), jnp.float32),
    )(outz, outw, brep)



def kernel(x, edge_index, W, a_src, a_dst):
    eye = jnp.eye(H, dtype=jnp.float32)
    a_blk_src = (a_src[:, :, None] * eye[:, None, :]).reshape(HC, H)
    a_blk_dst = (a_dst[:, :, None] * eye[:, None, :]).reshape(HC, H)
    zpad = jnp.zeros((HC, H), jnp.float32)
    a16 = jnp.concatenate([a_blk_src, zpad, a_blk_dst, zpad], axis=1)
    z, e16 = _node_mm(x, W, a16)
    src = edge_index[0]
    dst = edge_index[1]
    outz, outw = _sc_edge(z, e16, src, dst)
    brep = jnp.concatenate(
        [jnp.kron(eye, jnp.ones((1, COUT), jnp.float32)),
         jnp.zeros((12, HC), jnp.float32)], axis=0)
    return _finalize(outz, outw, brep)

# --- scband reference (transcript-rebuilt; emitter-appended) ---
"""Pipeline reference for scband-gatlayer-38474317037826 (READ-ONLY COPY).

The authoritative reference and input builder live on the scoring server;
editing this copy changes nothing except your own understanding.
"""

import jax, jax.numpy as jnp
import numpy as np

V = 10000
E = 320000
FIN = 128
H = 4
COUT = 32
NEG_SLOPE = 0.2


def _xavier_uniform(key, shape):
    fan_in, fan_out = shape[0], shape[1]
    s = float(np.sqrt(6.0 / (fan_in + fan_out)))
    return jax.random.uniform(key, shape, dtype=jnp.float32, minval=-s, maxval=s)


def setup_inputs(seed: int = 0) -> dict:
    key = jax.random.key(seed)
    kx, ke, kw, ks, kd = jax.random.split(key, 5)
    x = jax.random.normal(kx, (V, FIN), dtype=jnp.float32)
    edge_index = jax.random.randint(ke, (2, E), 0, V, dtype=jnp.int32)
    # nn.Linear(in_ch, heads*out_ch, bias=False); stored here as [FIN, H*COUT] so z = x @ W
    W = _xavier_uniform(kw, (FIN, H * COUT))
    a_src = _xavier_uniform(ks, (H, COUT))
    a_dst = _xavier_uniform(kd, (H, COUT))
    return {"x": x, "edge_index": edge_index, "W": W, "a_src": a_src, "a_dst": a_dst}


def reference(x, edge_index, W, a_src, a_dst):
    v = x.shape[0]
    z = (x @ W).reshape(v, H, COUT)                      # [V, H, Cout]
    src = edge_index[0]
    dst = edge_index[1]
    z_src = z[src]                                       # [E, H, Cout]
    z_dst = z[dst]                                       # [E, H, Cout]
    e = (z_src * a_src[None, :, :]).sum(-1) + (z_dst * a_dst[None, :, :]).sum(-1)  # [E, H]
    e = jax.nn.leaky_relu(e, NEG_SLOPE)
    # scatter_reduce amax with init -1e9 (include_self=True)
    max_per_dst = jax.ops.segment_max(e, dst, num_segments=v)   # [V, H]
    max_per_dst = jnp.maximum(max_per_dst, -1000000000.0)
    exp_e = jnp.exp(e - max_per_dst[dst])                # [E, H]
    denom = jax.ops.segment_sum(exp_e, dst, num_segments=v)     # [V, H]
    alpha = exp_e / (denom[dst] + 1e-09)                 # [E, H]
    msg = z_src * alpha[:, :, None]                      # [E, H, Cout]
    agg = jax.ops.segment_sum(msg, dst, num_segments=v)  # [V, H, Cout]
    out = jax.nn.elu(agg)
    return out.reshape(v, H * COUT)

if __name__ == "__main__":
    import jax
    _d = setup_inputs()
    print(jax.jit(kernel)(*tuple(_d.values())))

</pallas_src>

<mosaic_0001>
#map = affine_map<(d0, d1) -> (0, 0)>
#map1 = affine_map<(d0, d1) -> (0)>
#map2 = affine_map<(d0, d1) -> (0, 0, 0)>
module attributes {stable_mosaic.version = 14 : i64} {
  func.func @_sc_edge_body(%arg0: i32, %arg1: i32, %arg2: memref<10000x128xf32, #tpu.memory_space<hbm>>, %arg3: memref<10000x16xf32, #tpu.memory_space<hbm>>, %arg4: memref<320000xi32, #tpu.memory_space<hbm>>, %arg5: memref<320000xi32, #tpu.memory_space<hbm>>, %arg6: memref<2x10240x128xf32, #tpu.memory_space<hbm>>, %arg7: memref<2x10240x16xf32, #tpu.memory_space<hbm>>, %arg8: memref<80xi32, #tpu.memory_space<vmem>>, %arg9: memref<80xi32, #tpu.memory_space<vmem>>, %arg10: memref<80x128xf32, #tpu.memory_space<vmem>>, %arg11: memref<80x16xf32, #tpu.memory_space<vmem>>, %arg12: memref<80x16xf32, #tpu.memory_space<vmem>>, %arg13: memref<80x16xf32, #tpu.memory_space<vmem>>, %arg14: memref<80xi32, #tpu.memory_space<vmem>>, %arg15: memref<80xi32, #tpu.memory_space<vmem>>, %arg16: memref<80x128xf32, #tpu.memory_space<vmem>>, %arg17: memref<80x16xf32, #tpu.memory_space<vmem>>, %arg18: memref<80x16xf32, #tpu.memory_space<vmem>>, %arg19: memref<80x16xf32, #tpu.memory_space<vmem>>, %arg20: memref<10240x128xf32, #tpu.memory_space<vmem_shared>>, %arg21: memref<10240x16xf32, #tpu.memory_space<vmem_shared>>, %arg22: memref<!tpu.dma_semaphore, #tpu.memory_space<semaphore_mem>>, %arg23: memref<!tpu.dma_semaphore, #tpu.memory_space<semaphore_mem>>) attributes {dimension_semantics = [#tpu.dimension_semantics<core_parallel>, #tpu.dimension_semantics<subcore_parallel>], iteration_bounds = array<i64: 2, 16>, scalar_prefetch = 0 : i64, scratch_operands = 16 : i64, tpu.core_type = #tpu.core_type<sc_vector_subcore>, window_params = [{transform_indices = #map}, {transform_indices = #map}, {transform_indices = #map1}, {transform_indices = #map1}, {transform_indices = #map2}, {transform_indices = #map2}]} {
    %mul3A = arith.constant 16 : i32
    %mul3A_0 = arith.muli %arg0, %mul3A : i32
    %add3A = arith.addi %mul3A_0, %arg1 : i32
    %scan3A = arith.constant 0 : i32
    %scan3A_1 = arith.constant 0 : i32
    %scan3A_2 = arith.constant 80 : i32
    %scan3A_3 = arith.addi %scan3A_1, %scan3A_2 : i32
    %scan3A_4 = arith.constant 1 : i32
    %scan3A_5 = scf.for %scan3A_71 = %scan3A_1 to %scan3A_3 step %scan3A_4 iter_args(%scan3A_72 = %scan3A) -> (i32)  : i32 {
      %broadcast_in_dim3A = arith.constant 0.000000e+00 : f32
      %broadcast_in_dim3A_73 = vector.broadcast %broadcast_in_dim3A : f32 to vector<16xf32>
      %swap3A = arith.index_cast %scan3A_71 : i32 to index
      %swap3A_74 = arith.constant 0 : index
      %swap3A_75 = tpu.vector_load %arg10[%swap3A, %swap3A_74] {strides = array<i32>} : memref<80x128xf32, #tpu.memory_space<vmem>>, vector<1x16xf32>,
      %swap3A_76 = vector.shape_cast %swap3A_75 : vector<1x16xf32> to vector<16xf32>
      %swap3A_77 = vector.shape_cast %broadcast_in_dim3A_73 : vector<16xf32> to vector<1x16xf32>
      tpu.vector_store %arg10[%swap3A, %swap3A_74], %swap3A_77 {strides = array<i32>} : memref<80x128xf32, #tpu.memory_space<vmem>>, vector<1x16xf32>,
      %broadcast_in_dim3A_78 = arith.constant 0.000000e+00 : f32
      %broadcast_in_dim3A_79 = vector.broadcast %broadcast_in_dim3A_78 : f32 to vector<16xf32>
      %swap3A_80 = arith.index_cast %scan3A_71 : i32 to index
      %swap3A_81 = arith.constant 16 : index
      %swap3A_82 = tpu.vector_load %arg10[%swap3A_80, %swap3A_81] {strides = array<i32>} : memref<80x128xf32, #tpu.memory_space<vmem>>, vector<1x16xf32>,
      %swap3A_83 = vector.shape_cast %swap3A_82 : vector<1x16xf32> to vector<16xf32>
      %swap3A_84 = vector.shape_cast %broadcast_in_dim3A_79 : vector<16xf32> to vector<1x16xf32>
      tpu.vector_store %arg10[%swap3A_80, %swap3A_81], %swap3A_84 {strides = array<i32>} : memref<80x128xf32, #tpu.memory_space<vmem>>, vector<1x16xf32>,
      %broadcast_in_dim3A_85 = arith.constant 0.000000e+00 : f32
      %broadcast_in_dim3A_86 = vector.broadcast %broadcast_in_dim3A_85 : f32 to vector<16xf32>
      %swap3A_87 = arith.index_cast %scan3A_71 : i32 to index
      %swap3A_88 = arith.constant 32 : index
      %swap3A_89 = tpu.vector_load %arg10[%swap3A_87, %swap3A_88] {strides = array<i32>} : memref<80x128xf32, #tpu.memory_space<vmem>>, vector<1x16xf32>,
      %swap3A_90 = vector.shape_cast %swap3A_89 : vector<1x16xf32> to vector<16xf32>
      %swap3A_91 = vector.shape_cast %broadcast_in_dim3A_86 : vector<16xf32> to vector<1x16xf32>
      tpu.vector_store %arg10[%swap3A_87, %swap3A_88], %swap3A_91 {strides = array<i32>} : memref<80x128xf32, #tpu.memory_space<vmem>>, vector<1x16xf32>,
      %broadcast_in_dim3A_92 = arith.constant 0.000000e+00 : f32
      %broadcast_in_dim3A_93 = vector.broadcast %broadcast_in_dim3A_92 : f32 to vector<16xf32>
      %swap3A_94 = arith.index_cast %scan3A_71 : i32 to index
      %swap3A_95 = arith.constant 48 : index
      %swap3A_96 = tpu.vector_load %arg10[%swap3A_94, %swap3A_95] {strides = array<i32>} : memref<80x128xf32, #tpu.memory_space<vmem>>, vector<1x16xf32>,
      %swap3A_97 = vector.shape_cast %swap3A_96 : vector<1x16xf32> to vector<16xf32>
      %swap3A_98 = vector.shape_cast %broadcast_in_dim3A_93 : vector<16xf32> to vector<1x16xf32>
      tpu.vector_store %arg10[%swap3A_94, %swap3A_95], %swap3A_98 {strides = array<i32>} : memref<80x128xf32, #tpu.memory_space<vmem>>, vector<1x16xf32>,
      %broadcast_in_dim3A_99 = arith.constant 0.000000e+00 : f32
      %broadcast_in_dim3A_100 = vector.broadcast %broadcast_in_dim3A_99 : f32 to vector<16xf32>
      %swap3A_101 = arith.index_cast %scan3A_71 : i32 to index
      %swap3A_102 = arith.constant 64 : index
      %swap3A_103 = tpu.vector_load %arg10[%swap3A_101, %swap3A_102] {strides = array<i32>} : memref<80x128xf32, #tpu.memory_space<vmem>>, vector<1x16xf32>,
      %swap3A_104 = vector.shape_cast %swap3A_103 : vector<1x16xf32> to vector<16xf32>
      %swap3A_105 = vector.shape_cast %broadcast_in_dim3A_100 : vector<16xf32> to vector<1x16xf32>
      tpu.vector_store %arg10[%swap3A_101, %swap3A_102], %swap3A_105 {strides = array<i32>} : memref<80x128xf32, #tpu.memory_space<vmem>>, vector<1x16xf32>,
      %broadcast_in_dim3A_106 = arith.constant 0.000000e+00 : f32
      %broadcast_in_dim3A_107 = vector.broadcast %broadcast_in_dim3A_106 : f32 to vector<16xf32>
      %swap3A_108 = arith.index_cast %scan3A_71 : i32 to index
      %swap3A_109 = arith.constant 80 : index
      %swap3A_110 = tpu.vector_load %arg10[%swap3A_108, %swap3A_109] {strides = array<i32>} : memref<80x128xf32, #tpu.memory_space<vmem>>, vector<1x16xf32>,
      %swap3A_111 = vector.shape_cast %swap3A_110 : vector<1x16xf32> to vector<16xf32>
      %swap3A_112 = vector.shape_cast %broadcast_in_dim3A_107 : vector<16xf32> to vector<1x16xf32>
      tpu.vector_store %arg10[%swap3A_108, %swap3A_109], %swap3A_112 {strides = array<i32>} : memref<80x128xf32, #tpu.memory_space<vmem>>, vector<1x16xf32>,
      %broadcast_in_dim3A_113 = arith.constant 0.000000e+00 : f32
      %broadcast_in_dim3A_114 = vector.broadcast %broadcast_in_dim3A_113 : f32 to vector<16xf32>
      %swap3A_115 = arith.index_cast %scan3A_71 : i32 to index
      %swap3A_116 = arith.constant 96 : index
      %swap3A_117 = tpu.vector_load %arg10[%swap3A_115, %swap3A_116] {strides = array<i32>} : memref<80x128xf32, #tpu.memory_space<vmem>>, vector<1x16xf32>,
      %swap3A_118 = vector.shape_cast %swap3A_117 : vector<1x16xf32> to vector<16xf32>
      %swap3A_119 = vector.shape_cast %broadcast_in_dim3A_114 : vector<16xf32> to vector<1x16xf32>
      tpu.vector_store %arg10[%swap3A_115, %swap3A_116], %swap3A_119 {strides = array<i32>} : memref<80x128xf32, #tpu.memory_space<vmem>>, vector<1x16xf32>,
      %broadcast_in_dim3A_120 = arith.constant 0.000000e+00 : f32
      %broadcast_in_dim3A_121 = vector.broadcast %broadcast_in_dim3A_120 : f32 to vector<16xf32>
      %swap3A_122 = arith.index_cast %scan3A_71 : i32 to index
      %swap3A_123 = arith.constant 112 : index
      %swap3A_124 = tpu.vector_load %arg10[%swap3A_122, %swap3A_123] {strides = array<i32>} : memref<80x128xf32, #tpu.memory_space<vmem>>, vector<1x16xf32>,
      %swap3A_125 = vector.shape_cast %swap3A_124 : vector<1x16xf32> to vector<16xf32>
      %swap3A_126 = vector.shape_cast %broadcast_in_dim3A_121 : vector<16xf32> to vector<1x16xf32>
      tpu.vector_store %arg10[%swap3A_122, %swap3A_123], %swap3A_126 {strides = array<i32>} : memref<80x128xf32, #tpu.memory_space<vmem>>, vector<1x16xf32>,
      %broadcast_in_dim3A_127 = arith.constant 0.000000e+00 : f32
      %broadcast_in_dim3A_128 = vector.broadcast %broadcast_in_dim3A_127 : f32 to vector<16xf32>
      %swap3A_129 = arith.index_cast %scan3A_71 : i32 to index
      %swap3A_130 = arith.constant 0 : index
      %swap3A_131 = tpu.vector_load %arg13[%swap3A_129, %swap3A_130] {strides = array<i32>} : memref<80x16xf32, #tpu.memory_space<vmem>>, vector<1x16xf32>,
      %swap3A_132 = vector.shape_cast %swap3A_131 : vector<1x16xf32> to vector<16xf32>
      %swap3A_133 = vector.shape_cast %broadcast_in_dim3A_128 : vector<16xf32> to vector<1x16xf32>
      tpu.vector_store %arg13[%swap3A_129, %swap3A_130], %swap3A_133 {strides = array<i32>} : memref<80x16xf32, #tpu.memory_space<vmem>>, vector<1x16xf32>,
      %scan3A_134 = arith.constant 0 : i32
      scf.yield %scan3A_134 : i32
    }
    %scan3A_6 = arith.constant 80 : i32
    %mul3A_7 = arith.constant 640 : i32
    %mul3A_8 = arith.muli %arg1, %mul3A_7 : i32
    %add3A_9 = arith.constant 0 : i32
    %add3A_10 = arith.addi %mul3A_8, %add3A_9 : i32
    "tpu.region"() ({
      %run_scoped3A = tpu.sem_alloc : memref<!tpu.dma_semaphore, #tpu.memory_space<semaphore_mem>>
      %dma_start3A_71 = arith.constant 0 : i32
      %dma_start3A_72 = tpu.memref_slice %arg20[%add3A_10, %dma_start3A_71] : memref<10240x128xf32, #tpu.memory_space<vmem_shared>> -> memref<80x128xf32, #tpu.memory_space<vmem_shared>>
      %dma_start3A_73 = arith.constant 0 : i32
      %dma_start3A_74 = tpu.memref_slice %arg20[%add3A_10, %dma_start3A_73] : memref<10240x128xf32, #tpu.memory_space<vmem_shared>> -> memref<80x128xf32, #tpu.memory_space<vmem_shared>>
      tpu.enqueue_dma source(%arg10 : memref<80x128xf32, #tpu.memory_space<vmem>>) target(%dma_start3A_74 : memref<80x128xf32, #tpu.memory_space<vmem_shared>>) target_semaphore(%run_scoped3A : memref<!tpu.dma_semaphore, #tpu.memory_space<semaphore_mem>>)
      %dma_wait3A_75 = arith.constant 0 : i32
      %dma_wait3A_76 = tpu.memref_slice %arg20[%add3A_10, %dma_wait3A_75] : memref<10240x128xf32, #tpu.memory_space<vmem_shared>> -> memref<80x128xf32, #tpu.memory_space<vmem_shared>>
      %dma_wait3A_77 = arith.constant 0 : i32
      %dma_wait3A_78 = tpu.memref_slice %arg20[%add3A_10, %dma_wait3A_77] : memref<10240x128xf32, #tpu.memory_space<vmem_shared>> -> memref<80x128xf32, #tpu.memory_space<vmem_shared>>
      tpu.wait_dma2 semaphore(%run_scoped3A : memref<!tpu.dma_semaphore, #tpu.memory_space<semaphore_mem>>) src(%arg10 : memref<80x128xf32, #tpu.memory_space<vmem>>) dst(%dma_wait3A_78 : memref<80x128xf32, #tpu.memory_space<vmem_shared>>)
      tpu.yield
    }) : () -> ()
    %add3A_11 = arith.constant 0 : i32
    %add3A_12 = arith.addi %mul3A_8, %add3A_11 : i32
    "tpu.region"() ({
      %run_scoped3A = tpu.sem_alloc : memref<!tpu.dma_semaphore, #tpu.memory_space<semaphore_mem>>
      %dma_start3A_71 = arith.constant 0 : i32
      %dma_start3A_72 = tpu.memref_slice %arg21[%add3A_12, %dma_start3A_71] : memref<10240x16xf32, #tpu.memory_space<vmem_shared>> -> memref<80x16xf32, #tpu.memory_space<vmem_shared>>
      %dma_start3A_73 = arith.constant 0 : i32
      %dma_start3A_74 = tpu.memref_slice %arg21[%add3A_12, %dma_start3A_73] : memref<10240x16xf32, #tpu.memory_space<vmem_shared>> -> memref<80x16xf32, #tpu.memory_space<vmem_shared>>
      tpu.enqueue_dma source(%arg13 : memref<80x16xf32, #tpu.memory_space<vmem>>) target(%dma_start3A_74 : memref<80x16xf32, #tpu.memory_space<vmem_shared>>) target_semaphore(%run_scoped3A : memref<!tpu.dma_semaphore, #tpu.memory_space<semaphore_mem>>)
      %dma_wait3A_75 = arith.constant 0 : i32
      %dma_wait3A_76 = tpu.memref_slice %arg21[%add3A_12, %dma_wait3A_75] : memref<10240x16xf32, #tpu.memory_space<vmem_shared>> -> memref<80x16xf32, #tpu.memory_space<vmem_shared>>
      %dma_wait3A_77 = arith.constant 0 : i32
      %dma_wait3A_78 = tpu.memref_slice %arg21[%add3A_12, %dma_wait3A_77] : memref<10240x16xf32, #tpu.memory_space<vmem_shared>> -> memref<80x16xf32, #tpu.memory_space<vmem_shared>>
      tpu.wait_dma2 semaphore(%run_scoped3A : memref<!tpu.dma_semaphore, #tpu.memory_space<semaphore_mem>>) src(%arg13 : memref<80x16xf32, #tpu.memory_space<vmem>>) dst(%dma_wait3A_78 : memref<80x16xf32, #tpu.memory_space<vmem_shared>>)
      tpu.yield
    }) : () -> ()
    %add3A_13 = arith.constant 80 : i32
    %add3A_14 = arith.addi %mul3A_8, %add3A_13 : i32
    "tpu.region"() ({
      %run_scoped3A = tpu.sem_alloc : memref<!tpu.dma_semaphore, #tpu.memory_space<semaphore_mem>>
      %dma_start3A_71 = arith.constant 0 : i32
      %dma_start3A_72 = tpu.memref_slice %arg20[%add3A_14, %dma_start3A_71] : memref<10240x128xf32, #tpu.memory_space<vmem_shared>> -> memref<80x128xf32, #tpu.memory_space<vmem_shared>>
      %dma_start3A_73 = arith.constant 0 : i32
      %dma_start3A_74 = tpu.memref_slice %arg20[%add3A_14, %dma_start3A_73] : memref<10240x128xf32, #tpu.memory_space<vmem_shared>> -> memref<80x128xf32, #tpu.memory_space<vmem_shared>>
      tpu.enqueue_dma source(%arg10 : memref<80x128xf32, #tpu.memory_space<vmem>>) target(%dma_start3A_74 : memref<80x128xf32, #tpu.memory_space<vmem_shared>>) target_semaphore(%run_scoped3A : memref<!tpu.dma_semaphore, #tpu.memory_space<semaphore_mem>>)
      %dma_wait3A_75 = arith.constant 0 : i32
      %dma_wait3A_76 = tpu.memref_slice %arg20[%add3A_14, %dma_wait3A_75] : memref<10240x128xf32, #tpu.memory_space<vmem_shared>> -> memref<80x128xf32, #tpu.memory_space<vmem_shared>>
      %dma_wait3A_77 = arith.constant 0 : i32
      %dma_wait3A_78 = tpu.memref_slice %arg20[%add3A_14, %dma_wait3A_77] : memref<10240x128xf32, #tpu.memory_space<vmem_shared>> -> memref<80x128xf32, #tpu.memory_space<vmem_shared>>
      tpu.wait_dma2 semaphore(%run_scoped3A : memref<!tpu.dma_semaphore, #tpu.memory_space<semaphore_mem>>) src(%arg10 : memref<80x128xf32, #tpu.memory_space<vmem>>) dst(%dma_wait3A_78 : memref<80x128xf32, #tpu.memory_space<vmem_shared>>)
      tpu.yield
    }) : () -> ()
    %add3A_15 = arith.constant 80 : i32
    %add3A_16 = arith.addi %mul3A_8, %add3A_15 : i32
    "tpu.region"() ({
      %run_scoped3A = tpu.sem_alloc : memref<!tpu.dma_semaphore, #tpu.memory_space<semaphore_mem>>
      %dma_start3A_71 = arith.constant 0 : i32
      %dma_start3A_72 = tpu.memref_slice %arg21[%add3A_16, %dma_start3A_71] : memref<10240x16xf32, #tpu.memory_space<vmem_shared>> -> memref<80x16xf32, #tpu.memory_space<vmem_shared>>
      %dma_start3A_73 = arith.constant 0 : i32
      %dma_start3A_74 = tpu.memref_slice %arg21[%add3A_16, %dma_start3A_73] : memref<10240x16xf32, #tpu.memory_space<vmem_shared>> -> memref<80x16xf32, #tpu.memory_space<vmem_shared>>
      tpu.enqueue_dma source(%arg13 : memref<80x16xf32, #tpu.memory_space<vmem>>) target(%dma_start3A_74 : memref<80x16xf32, #tpu.memory_space<vmem_shared>>) target_semaphore(%run_scoped3A : memref<!tpu.dma_semaphore, #tpu.memory_space<semaphore_mem>>)
      %dma_wait3A_75 = arith.constant 0 : i32
      %dma_wait3A_76 = tpu.memref_slice %arg21[%add3A_16, %dma_wait3A_75] : memref<10240x16xf32, #tpu.memory_space<vmem_shared>> -> memref<80x16xf32, #tpu.memory_space<vmem_shared>>
      %dma_wait3A_77 = arith.constant 0 : i32
      %dma_wait3A_78 = tpu.memref_slice %arg21[%add3A_16, %dma_wait3A_77] : memref<10240x16xf32, #tpu.memory_space<vmem_shared>> -> memref<80x16xf32, #tpu.memory_space<vmem_shared>>
      tpu.wait_dma2 semaphore(%run_scoped3A : memref<!tpu.dma_semaphore, #tpu.memory_space<semaphore_mem>>) src(%arg13 : memref<80x16xf32, #tpu.memory_space<vmem>>) dst(%dma_wait3A_78 : memref<80x16xf32, #tpu.memory_space<vmem_shared>>)
      tpu.yield
    }) : () -> ()
    %add3A_17 = arith.constant 160 : i32
    %add3A_18 = arith.addi %mul3A_8, %add3A_17 : i32
    "tpu.region"() ({
      %run_scoped3A = tpu.sem_alloc : memref<!tpu.dma_semaphore, #tpu.memory_space<semaphore_mem>>
      %dma_start3A_71 = arith.constant 0 : i32
      %dma_start3A_72 = tpu.memref_slice %arg20[%add3A_18, %dma_start3A_71] : memref<10240x128xf32, #tpu.memory_space<vmem_shared>> -> memref<80x128xf32, #tpu.memory_space<vmem_shared>>
      %dma_start3A_73 = arith.constant 0 : i32
      %dma_start3A_74 = tpu.memref_slice %arg20[%add3A_18, %dma_start3A_73] : memref<10240x128xf32, #tpu.memory_space<vmem_shared>> -> memref<80x128xf32, #tpu.memory_space<vmem_shared>>
      tpu.enqueue_dma source(%arg10 : memref<80x128xf32, #tpu.memory_space<vmem>>) target(%dma_start3A_74 : memref<80x128xf32, #tpu.memory_space<vmem_shared>>) target_semaphore(%run_scoped3A : memref<!tpu.dma_semaphore, #tpu.memory_space<semaphore_mem>>)
      %dma_wait3A_75 = arith.constant 0 : i32
      %dma_wait3A_76 = tpu.memref_slice %arg20[%add3A_18, %dma_wait3A_75] : memref<10240x128xf32, #tpu.memory_space<vmem_shared>> -> memref<80x128xf32, #tpu.memory_space<vmem_shared>>
      %dma_wait3A_77 = arith.constant 0 : i32
      %dma_wait3A_78 = tpu.memref_slice %arg20[%add3A_18, %dma_wait3A_77] : memref<10240x128xf32, #tpu.memory_space<vmem_shared>> -> memref<80x128xf32, #tpu.memory_space<vmem_shared>>
      tpu.wait_dma2 semaphore(%run_scoped3A : memref<!tpu.dma_semaphore, #tpu.memory_space<semaphore_mem>>) src(%arg10 : memref<80x128xf32, #tpu.memory_space<vmem>>) dst(%dma_wait3A_78 : memref<80x128xf32, #tpu.memory_space<vmem_shared>>)
      tpu.yield
    }) : () -> ()
    %add3A_19 = arith.constant 160 : i32
    %add3A_20 = arith.addi %mul3A_8, %add3A_19 : i32
    "tpu.region"() ({
      %run_scoped3A = tpu.sem_alloc : memref<!tpu.dma_semaphore, #tpu.memory_space<semaphore_mem>>
      %dma_start3A_71 = arith.constant 0 : i32
      %dma_start3A_72 = tpu.memref_slice %arg21[%add3A_20, %dma_start3A_71] : memref<10240x16xf32, #tpu.memory_space<vmem_shared>> -> memref<80x16xf32, #tpu.memory_space<vmem_shared>>
      %dma_start3A_73 = arith.constant 0 : i32
      %dma_start3A_74 = tpu.memref_slice %arg21[%add3A_20, %dma_start3A_73] : memref<10240x16xf32, #tpu.memory_space<vmem_shared>> -> memref<80x16xf32, #tpu.memory_space<vmem_shared>>
      tpu.enqueue_dma source(%arg13 : memref<80x16xf32, #tpu.memory_space<vmem>>) target(%dma_start3A_74 : memref<80x16xf32, #tpu.memory_space<vmem_shared>>) target_semaphore(%run_scoped3A : memref<!tpu.dma_semaphore, #tpu.memory_space<semaphore_mem>>)
      %dma_wait3A_75 = arith.constant 0 : i32
      %dma_wait3A_76 = tpu.memref_slice %arg21[%add3A_20, %dma_wait3A_75] : memref<10240x16xf32, #tpu.memory_space<vmem_shared>> -> memref<80x16xf32, #tpu.memory_space<vmem_shared>>
      %dma_wait3A_77 = arith.constant 0 : i32
      %dma_wait3A_78 = tpu.memref_slice %arg21[%add3A_20, %dma_wait3A_77] : memref<10240x16xf32, #tpu.memory_space<vmem_shared>> -> memref<80x16xf32, #tpu.memory_space<vmem_shared>>
      tpu.wait_dma2 semaphore(%run_scoped3A : memref<!tpu.dma_semaphore, #tpu.memory_space<semaphore_mem>>) src(%arg13 : memref<80x16xf32, #tpu.memory_space<vmem>>) dst(%dma_wait3A_78 : memref<80x16xf32, #tpu.memory_space<vmem_shared>>)
      tpu.yield
    }) : () -> ()
    %add3A_21 = arith.constant 240 : i32
    %add3A_22 = arith.addi %mul3A_8, %add3A_21 : i32
    "tpu.region"() ({
      %run_scoped3A = tpu.sem_alloc : memref<!tpu.dma_semaphore, #tpu.memory_space<semaphore_mem>>
      %dma_start3A_71 = arith.constant 0 : i32
      %dma_start3A_72 = tpu.memref_slice %arg20[%add3A_22, %dma_start3A_71] : memref<10240x128xf32, #tpu.memory_space<vmem_shared>> -> memref<80x128xf32, #tpu.memory_space<vmem_shared>>
      %dma_start3A_73 = arith.constant 0 : i32
      %dma_start3A_74 = tpu.memref_slice %arg20[%add3A_22, %dma_start3A_73] : memref<10240x128xf32, #tpu.memory_space<vmem_shared>> -> memref<80x128xf32, #tpu.memory_space<vmem_shared>>
      tpu.enqueue_dma source(%arg10 : memref<80x128xf32, #tpu.memory_space<vmem>>) target(%dma_start3A_74 : memref<80x128xf32, #tpu.memory_space<vmem_shared>>) target_semaphore(%run_scoped3A : memref<!tpu.dma_semaphore, #tpu.memory_space<semaphore_mem>>)
      %dma_wait3A_75 = arith.constant 0 : i32
      %dma_wait3A_76 = tpu.memref_slice %arg20[%add3A_22, %dma_wait3A_75] : memref<10240x128xf32, #tpu.memory_space<vmem_shared>> -> memref<80x128xf32, #tpu.memory_space<vmem_shared>>
      %dma_wait3A_77 = arith.constant 0 : i32
      %dma_wait3A_78 = tpu.memref_slice %arg20[%add3A_22, %dma_wait3A_77] : memref<10240x128xf32, #tpu.memory_space<vmem_shared>> -> memref<80x128xf32, #tpu.memory_space<vmem_shared>>
      tpu.wait_dma2 semaphore(%run_scoped3A : memref<!tpu.dma_semaphore, #tpu.memory_space<semaphore_mem>>) src(%arg10 : memref<80x128xf32, #tpu.memory_space<vmem>>) dst(%dma_wait3A_78 : memref<80x128xf32, #tpu.memory_space<vmem_shared>>)
      tpu.yield
    }) : () -> ()
    %add3A_23 = arith.constant 240 : i32
    %add3A_24 = arith.addi %mul3A_8, %add3A_23 : i32
    "tpu.region"() ({
      %run_scoped3A = tpu.sem_alloc : memref<!tpu.dma_semaphore, #tpu.memory_space<semaphore_mem>>
      %dma_start3A_71 = arith.constant 0 : i32
      %dma_start3A_72 = tpu.memref_slice %arg21[%add3A_24, %dma_start3A_71] : memref<10240x16xf32, #tpu.memory_space<vmem_shared>> -> memref<80x16xf32, #tpu.memory_space<vmem_shared>>
      %dma_start3A_73 = arith.constant 0 : i32
      %dma_start3A_74 = tpu.memref_slice %arg21[%add3A_24, %dma_start3A_73] : memref<10240x16xf32, #tpu.memory_space<vmem_shared>> -> memref<80x16xf32, #tpu.memory_space<vmem_shared>>
      tpu.enqueue_dma source(%arg13 : memref<80x16xf32, #tpu.memory_space<vmem>>) target(%dma_start3A_74 : memref<80x16xf32, #tpu.memory_space<vmem_shared>>) target_semaphore(%run_scoped3A : memref<!tpu.dma_semaphore, #tpu.memory_space<semaphore_mem>>)
      %dma_wait3A_75 = arith.constant 0 : i32
      %dma_wait3A_76 = tpu.memref_slice %arg21[%add3A_24, %dma_wait3A_75] : memref<10240x16xf32, #tpu.memory_space<vmem_shared>> -> memref<80x16xf32, #tpu.memory_space<vmem_shared>>
      %dma_wait3A_77 = arith.constant 0 : i32
      %dma_wait3A_78 = tpu.memref_slice %arg21[%add3A_24, %dma_wait3A_77] : memref<10240x16xf32, #tpu.memory_space<vmem_shared>> -> memref<80x16xf32, #tpu.memory_space<vmem_shared>>
      tpu.wait_dma2 semaphore(%run_scoped3A : memref<!tpu.dma_semaphore, #tpu.memory_space<semaphore_mem>>) src(%arg13 : memref<80x16xf32, #tpu.memory_space<vmem>>) dst(%dma_wait3A_78 : memref<80x16xf32, #tpu.memory_space<vmem_shared>>)
      tpu.yield
    }) : () -> ()
    %add3A_25 = arith.constant 320 : i32
    %add3A_26 = arith.addi %mul3A_8, %add3A_25 : i32
    "tpu.region"() ({
      %run_scoped3A = tpu.sem_alloc : memref<!tpu.dma_semaphore, #tpu.memory_space<semaphore_mem>>
      %dma_start3A_71 = arith.constant 0 : i32
      %dma_start3A_72 = tpu.memref_slice %arg20[%add3A_26, %dma_start3A_71] : memref<10240x128xf32, #tpu.memory_space<vmem_shared>> -> memref<80x128xf32, #tpu.memory_space<vmem_shared>>
      %dma_start3A_73 = arith.constant 0 : i32
      %dma_start3A_74 = tpu.memref_slice %arg20[%add3A_26, %dma_start3A_73] : memref<10240x128xf32, #tpu.memory_space<vmem_shared>> -> memref<80x128xf32, #tpu.memory_space<vmem_shared>>
      tpu.enqueue_dma source(%arg10 : memref<80x128xf32, #tpu.memory_space<vmem>>) target(%dma_start3A_74 : memref<80x128xf32, #tpu.memory_space<vmem_shared>>) target_semaphore(%run_scoped3A : memref<!tpu.dma_semaphore, #tpu.memory_space<semaphore_mem>>)
      %dma_wait3A_75 = arith.constant 0 : i32
      %dma_wait3A_76 = tpu.memref_slice %arg20[%add3A_26, %dma_wait3A_75] : memref<10240x128xf32, #tpu.memory_space<vmem_shared>> -> memref<80x128xf32, #tpu.memory_space<vmem_shared>>
      %dma_wait3A_77 = arith.constant 0 : i32
      %dma_wait3A_78 = tpu.memref_slice %arg20[%add3A_26, %dma_wait3A_77] : memref<10240x128xf32, #tpu.memory_space<vmem_shared>> -> memref<80x128xf32, #tpu.memory_space<vmem_shared>>
      tpu.wait_dma2 semaphore(%run_scoped3A : memref<!tpu.dma_semaphore, #tpu.memory_space<semaphore_mem>>) src(%arg10 : memref<80x128xf32, #tpu.memory_space<vmem>>) dst(%dma_wait3A_78 : memref<80x128xf32, #tpu.memory_space<vmem_shared>>)
      tpu.yield
    }) : () -> ()
    %add3A_27 = arith.constant 320 : i32
    %add3A_28 = arith.addi %mul3A_8, %add3A_27 : i32
    "tpu.region"() ({
      %run_scoped3A = tpu.sem_alloc : memref<!tpu.dma_semaphore, #tpu.memory_space<semaphore_mem>>
      %dma_start3A_71 = arith.constant 0 : i32
      %dma_start3A_72 = tpu.memref_slice %arg21[%add3A_28, %dma_start3A_71] : memref<10240x16xf32, #tpu.memory_space<vmem_shared>> -> memref<80x16xf32, #tpu.memory_space<vmem_shared>>
      %dma_start3A_73 = arith.constant 0 : i32
      %dma_start3A_74 = tpu.memref_slice %arg21[%add3A_28, %dma_start3A_73] : memref<10240x16xf32, #tpu.memory_space<vmem_shared>> -> memref<80x16xf32, #tpu.memory_space<vmem_shared>>
      tpu.enqueue_dma source(%arg13 : memref<80x16xf32, #tpu.memory_space<vmem>>) target(%dma_start3A_74 : memref<80x16xf32, #tpu.memory_space<vmem_shared>>) target_semaphore(%run_scoped3A : memref<!tpu.dma_semaphore, #tpu.memory_space<semaphore_mem>>)
      %dma_wait3A_75 = arith.constant 0 : i32
      %dma_wait3A_76 = tpu.memref_slice %arg21[%add3A_28, %dma_wait3A_75] : memref<10240x16xf32, #tpu.memory_space<vmem_shared>> -> memref<80x16xf32, #tpu.memory_space<vmem_shared>>
      %dma_wait3A_77 = arith.constant 0 : i32
      %dma_wait3A_78 = tpu.memref_slice %arg21[%add3A_28, %dma_wait3A_77] : memref<10240x16xf32, #tpu.memory_space<vmem_shared>> -> memref<80x16xf32, #tpu.memory_space<vmem_shared>>
      tpu.wait_dma2 semaphore(%run_scoped3A : memref<!tpu.dma_semaphore, #tpu.memory_space<semaphore_mem>>) src(%arg13 : memref<80x16xf32, #tpu.memory_space<vmem>>) dst(%dma_wait3A_78 : memref<80x16xf32, #tpu.memory_space<vmem_shared>>)
      tpu.yield
    }) : () -> ()
    %add3A_29 = arith.constant 400 : i32
    %add3A_30 = arith.addi %mul3A_8, %add3A_29 : i32
    "tpu.region"() ({
      %run_scoped3A = tpu.sem_alloc : memref<!tpu.dma_semaphore, #tpu.memory_space<semaphore_mem>>
      %dma_start3A_71 = arith.constant 0 : i32
      %dma_start3A_72 = tpu.memref_slice %arg20[%add3A_30, %dma_start3A_71] : memref<10240x128xf32, #tpu.memory_space<vmem_shared>> -> memref<80x128xf32, #tpu.memory_space<vmem_shared>>
      %dma_start3A_73 = arith.constant 0 : i32
      %dma_start3A_74 = tpu.memref_slice %arg20[%add3A_30, %dma_start3A_73] : memref<10240x128xf32, #tpu.memory_space<vmem_shared>> -> memref<80x128xf32, #tpu.memory_space<vmem_shared>>
      tpu.enqueue_dma source(%arg10 : memref<80x128xf32, #tpu.memory_space<vmem>>) target(%dma_start3A_74 : memref<80x128xf32, #tpu.memory_space<vmem_shared>>) target_semaphore(%run_scoped3A : memref<!tpu.dma_semaphore, #tpu.memory_space<semaphore_mem>>)
      %dma_wait3A_75 = arith.constant 0 : i32
      %dma_wait3A_76 = tpu.memref_slice %arg20[%add3A_30, %dma_wait3A_75] : memref<10240x128xf32, #tpu.memory_space<vmem_shared>> -> memref<80x128xf32, #tpu.memory_space<vmem_shared>>
      %dma_wait3A_77 = arith.constant 0 : i32
      %dma_wait3A_78 = tpu.memref_slice %arg20[%add3A_30, %dma_wait3A_77] : memref<10240x128xf32, #tpu.memory_space<vmem_shared>> -> memref<80x128xf32, #tpu.memory_space<vmem_shared>>
      tpu.wait_dma2 semaphore(%run_scoped3A : memref<!tpu.dma_semaphore, #tpu.memory_space<semaphore_mem>>) src(%arg10 : memref<80x128xf32, #tpu.memory_space<vmem>>) dst(%dma_wait3A_78 : memref<80x128xf32, #tpu.memory_space<vmem_shared>>)
      tpu.yield
    }) : () -> ()
    %add3A_31 = arith.constant 400 : i32
    %add3A_32 = arith.addi %mul3A_8, %add3A_31 : i32
    "tpu.region"() ({
      %run_scoped3A = tpu.sem_alloc : memref<!tpu.dma_semaphore, #tpu.memory_space<semaphore_mem>>
      %dma_start3A_71 = arith.constant 0 : i32
      %dma_start3A_72 = tpu.memref_slice %arg21[%add3A_32, %dma_start3A_71] : memref<10240x16xf32, #tpu.memory_space<vmem_shared>> -> memref<80x16xf32, #tpu.memory_space<vmem_shared>>
      %dma_start3A_73 = arith.constant 0 : i32
      %dma_start3A_74 = tpu.memref_slice %arg21[%add3A_32, %dma_start3A_73] : memref<10240x16xf32, #tpu.memory_space<vmem_shared>> -> memref<80x16xf32, #tpu.memory_space<vmem_shared>>
      tpu.enqueue_dma source(%arg13 : memref<80x16xf32, #tpu.memory_space<vmem>>) target(%dma_start3A_74 : memref<80x16xf32, #tpu.memory_space<vmem_shared>>) target_semaphore(%run_scoped3A : memref<!tpu.dma_semaphore, #tpu.memory_space<semaphore_mem>>)
      %dma_wait3A_75 = arith.constant 0 : i32
      %dma_wait3A_76 = tpu.memref_slice %arg21[%add3A_32, %dma_wait3A_75] : memref<10240x16xf32, #tpu.memory_space<vmem_shared>> -> memref<80x16xf32, #tpu.memory_space<vmem_shared>>
      %dma_wait3A_77 = arith.constant 0 : i32
      %dma_wait3A_78 = tpu.memref_slice %arg21[%add3A_32, %dma_wait3A_77] : memref<10240x16xf32, #tpu.memory_space<vmem_shared>> -> memref<80x16xf32, #tpu.memory_space<vmem_shared>>
      tpu.wait_dma2 semaphore(%run_scoped3A : memref<!tpu.dma_semaphore, #tpu.memory_space<semaphore_mem>>) src(%arg13 : memref<80x16xf32, #tpu.memory_space<vmem>>) dst(%dma_wait3A_78 : memref<80x16xf32, #tpu.memory_space<vmem_shared>>)
      tpu.yield
    }) : () -> ()
    %add3A_33 = arith.constant 480 : i32
    %add3A_34 = arith.addi %mul3A_8, %add3A_33 : i32
    "tpu.region"() ({
      %run_scoped3A = tpu.sem_alloc : memref<!tpu.dma_semaphore, #tpu.memory_space<semaphore_mem>>
      %dma_start3A_71 = arith.constant 0 : i32
      %dma_start3A_72 = tpu.memref_slice %arg20[%add3A_34, %dma_start3A_71] : memref<10240x128xf32, #tpu.memory_space<vmem_shared>> -> memref<80x128xf32, #tpu.memory_space<vmem_shared>>
      %dma_start3A_73 = arith.constant 0 : i32
      %dma_start3A_74 = tpu.memref_slice %arg20[%add3A_34, %dma_start3A_73] : memref<10240x128xf32, #tpu.memory_space<vmem_shared>> -> memref<80x128xf32, #tpu.memory_space<vmem_shared>>
      tpu.enqueue_dma source(%arg10 : memref<80x128xf32, #tpu.memory_space<vmem>>) target(%dma_start3A_74 : memref<80x128xf32, #tpu.memory_space<vmem_shared>>) target_semaphore(%run_scoped3A : memref<!tpu.dma_semaphore, #tpu.memory_space<semaphore_mem>>)
      %dma_wait3A_75 = arith.constant 0 : i32
      %dma_wait3A_76 = tpu.memref_slice %arg20[%add3A_34, %dma_wait3A_75] : memref<10240x128xf32, #tpu.memory_space<vmem_shared>> -> memref<80x128xf32, #tpu.memory_space<vmem_shared>>
      %dma_wait3A_77 = arith.constant 0 : i32
      %dma_wait3A_78 = tpu.memref_slice %arg20[%add3A_34, %dma_wait3A_77] : memref<10240x128xf32, #tpu.memory_space<vmem_shared>> -> memref<80x128xf32, #tpu.memory_space<vmem_shared>>
      tpu.wait_dma2 semaphore(%run_scoped3A : memref<!tpu.dma_semaphore, #tpu.memory_space<semaphore_mem>>) src(%arg10 : memref<80x128xf32, #tpu.memory_space<vmem>>) dst(%dma_wait3A_78 : memref<80x128xf32, #tpu.memory_space<vmem_shared>>)
      tpu.yield
    }) : () -> ()
    %add3A_35 = arith.constant 480 : i32
    %add3A_36 = arith.addi %mul3A_8, %add3A_35 : i32
    "tpu.region"() ({
      %run_scoped3A = tpu.sem_alloc : memref<!tpu.dma_semaphore, #tpu.memory_space<semaphore_mem>>
      %dma_start3A_71 = arith.constant 0 : i32
      %dma_start3A_72 = tpu.memref_slice %arg21[%add3A_36, %dma_start3A_71] : memref<10240x16xf32, #tpu.memory_space<vmem_shared>> -> memref<80x16xf32, #tpu.memory_space<vmem_shared>>
      %dma_start3A_73 = arith.constant 0 : i32
      %dma_start3A_74 = tpu.memref_slice %arg21[%add3A_36, %dma_start3A_73] : memref<10240x16xf32, #tpu.memory_space<vmem_shared>> -> memref<80x16xf32, #tpu.memory_space<vmem_shared>>
      tpu.enqueue_dma source(%arg13 : memref<80x16xf32, #tpu.memory_space<vmem>>) target(%dma_start3A_74 : memref<80x16xf32, #tpu.memory_space<vmem_shared>>) target_semaphore(%run_scoped3A : memref<!tpu.dma_semaphore, #tpu.memory_space<semaphore_mem>>)
      %dma_wait3A_75 = arith.constant 0 : i32
      %dma_wait3A_76 = tpu.memref_slice %arg21[%add3A_36, %dma_wait3A_75] : memref<10240x16xf32, #tpu.memory_space<vmem_shared>> -> memref<80x16xf32, #tpu.memory_space<vmem_shared>>
      %dma_wait3A_77 = arith.constant 0 : i32
      %dma_wait3A_78 = tpu.memref_slice %arg21[%add3A_36, %dma_wait3A_77] : memref<10240x16xf32, #tpu.memory_space<vmem_shared>> -> memref<80x16xf32, #tpu.memory_space<vmem_shared>>
      tpu.wait_dma2 semaphore(%run_scoped3A : memref<!tpu.dma_semaphore, #tpu.memory_space<semaphore_mem>>) src(%arg13 : memref<80x16xf32, #tpu.memory_space<vmem>>) dst(%dma_wait3A_78 : memref<80x16xf32, #tpu.memory_space<vmem_shared>>)
      tpu.yield
    }) : () -> ()
    %add3A_37 = arith.constant 560 : i32
    %add3A_38 = arith.addi %mul3A_8, %add3A_37 : i32
    "tpu.region"() ({
      %run_scoped3A = tpu.sem_alloc : memref<!tpu.dma_semaphore, #tpu.memory_space<semaphore_mem>>
      %dma_start3A_71 = arith.constant 0 : i32
      %dma_start3A_72 = tpu.memref_slice %arg20[%add3A_38, %dma_start3A_71] : memref<10240x128xf32, #tpu.memory_space<vmem_shared>> -> memref<80x128xf32, #tpu.memory_space<vmem_shared>>
      %dma_start3A_73 = arith.constant 0 : i32
      %dma_start3A_74 = tpu.memref_slice %arg20[%add3A_38, %dma_start3A_73] : memref<10240x128xf32, #tpu.memory_space<vmem_shared>> -> memref<80x128xf32, #tpu.memory_space<vmem_shared>>
      tpu.enqueue_dma source(%arg10 : memref<80x128xf32, #tpu.memory_space<vmem>>) target(%dma_start3A_74 : memref<80x128xf32, #tpu.memory_space<vmem_shared>>) target_semaphore(%run_scoped3A : memref<!tpu.dma_semaphore, #tpu.memory_space<semaphore_mem>>)
      %dma_wait3A_75 = arith.constant 0 : i32
      %dma_wait3A_76 = tpu.memref_slice %arg20[%add3A_38, %dma_wait3A_75] : memref<10240x128xf32, #tpu.memory_space<vmem_shared>> -> memref<80x128xf32, #tpu.memory_space<vmem_shared>>
      %dma_wait3A_77 = arith.constant 0 : i32
      %dma_wait3A_78 = tpu.memref_slice %arg20[%add3A_38, %dma_wait3A_77] : memref<10240x128xf32, #tpu.memory_space<vmem_shared>> -> memref<80x128xf32, #tpu.memory_space<vmem_shared>>
      tpu.wait_dma2 semaphore(%run_scoped3A : memref<!tpu.dma_semaphore, #tpu.memory_space<semaphore_mem>>) src(%arg10 : memref<80x128xf32, #tpu.memory_space<vmem>>) dst(%dma_wait3A_78 : memref<80x128xf32, #tpu.memory_space<vmem_shared>>)
      tpu.yield
    }) : () -> ()
    %add3A_39 = arith.constant 560 : i32
    %add3A_40 = arith.addi %mul3A_8, %add3A_39 : i32
    "tpu.region"() ({
      %run_scoped3A = tpu.sem_alloc : memref<!tpu.dma_semaphore, #tpu.memory_space<semaphore_mem>>
      %dma_start3A_71 = arith.constant 0 : i32
      %dma_start3A_72 = tpu.memref_slice %arg21[%add3A_40, %dma_start3A_71] : memref<10240x16xf32, #tpu.memory_space<vmem_shared>> -> memref<80x16xf32, #tpu.memory_space<vmem_shared>>
      %dma_start3A_73 = arith.constant 0 : i32
      %dma_start3A_74 = tpu.memref_slice %arg21[%add3A_40, %dma_start3A_73] : memref<10240x16xf32, #tpu.memory_space<vmem_shared>> -> memref<80x16xf32, #tpu.memory_space<vmem_shared>>
      tpu.enqueue_dma source(%arg13 : memref<80x16xf32, #tpu.memory_space<vmem>>) target(%dma_start3A_74 : memref<80x16xf32, #tpu.memory_space<vmem_shared>>) target_semaphore(%run_scoped3A : memref<!tpu.dma_semaphore, #tpu.memory_space<semaphore_mem>>)
      %dma_wait3A_75 = arith.constant 0 : i32
      %dma_wait3A_76 = tpu.memref_slice %arg21[%add3A_40, %dma_wait3A_75] : memref<10240x16xf32, #tpu.memory_space<vmem_shared>> -> memref<80x16xf32, #tpu.memory_space<vmem_shared>>
      %dma_wait3A_77 = arith.constant 0 : i32
      %dma_wait3A_78 = tpu.memref_slice %arg21[%add3A_40, %dma_wait3A_77] : memref<10240x16xf32, #tpu.memory_space<vmem_shared>> -> memref<80x16xf32, #tpu.memory_space<vmem_shared>>
      tpu.wait_dma2 semaphore(%run_scoped3A : memref<!tpu.dma_semaphore, #tpu.memory_space<semaphore_mem>>) src(%arg13 : memref<80x16xf32, #tpu.memory_space<vmem>>) dst(%dma_wait3A_78 : memref<80x16xf32, #tpu.memory_space<vmem_shared>>)
      tpu.yield
    }) : () -> ()
    %barrier3A = arith.constant 0 : index
    tpu.barrier barrier_id(%barrier3A)
    %mul3A_41 = arith.constant 10000 : i32
    %mul3A_42 = arith.muli %add3A, %mul3A_41 : i32
    %add3A_43 = arith.constant 0 : i32
    %add3A_44 = arith.addi %mul3A_42, %add3A_43 : i32
    "tpu.region"() ({
      %run_scoped3A = tpu.sem_alloc : memref<!tpu.dma_semaphore, #tpu.memory_space<semaphore_mem>>
      %dma_start3A_71 = tpu.memref_slice %arg4[%add3A_44] : memref<320000xi32, #tpu.memory_space<hbm>> -> memref<80xi32, #tpu.memory_space<hbm>>
      %dma_start3A_72 = tpu.memref_slice %arg4[%add3A_44] : memref<320000xi32, #tpu.memory_space<hbm>> -> memref<80xi32, #tpu.memory_space<hbm>>
      tpu.enqueue_dma source(%dma_start3A_72 : memref<80xi32, #tpu.memory_space<hbm>>) target(%arg8 : memref<80xi32, #tpu.memory_space<vmem>>) target_semaphore(%run_scoped3A : memref<!tpu.dma_semaphore, #tpu.memory_space<semaphore_mem>>)
      %dma_wait3A_73 = tpu.memref_slice %arg4[%add3A_44] : memref<320000xi32, #tpu.memory_space<hbm>> -> memref<80xi32, #tpu.memory_space<hbm>>
      %dma_wait3A_74 = tpu.memref_slice %arg4[%add3A_44] : memref<320000xi32, #tpu.memory_space<hbm>> -> memref<80xi32, #tpu.memory_space<hbm>>
      tpu.wait_dma2 semaphore(%run_scoped3A : memref<!tpu.dma_semaphore, #tpu.memory_space<semaphore_mem>>) src(%dma_wait3A_74 : memref<80xi32, #tpu.memory_space<hbm>>) dst(%arg8 : memref<80xi32, #tpu.memory_space<vmem>>)
      tpu.yield
    }) : () -> ()
    "tpu.region"() ({
      %run_scoped3A = tpu.sem_alloc : memref<!tpu.dma_semaphore, #tpu.memory_space<semaphore_mem>>
      %dma_start3A_71 = tpu.memref_slice %arg5[%add3A_44] : memref<320000xi32, #tpu.memory_space<hbm>> -> memref<80xi32, #tpu.memory_space<hbm>>
      %dma_start3A_72 = tpu.memref_slice %arg5[%add3A_44] : memref<320000xi32, #tpu.memory_space<hbm>> -> memref<80xi32, #tpu.memory_space<hbm>>
      tpu.enqueue_dma source(%dma_start3A_72 : memref<80xi32, #tpu.memory_space<hbm>>) target(%arg9 : memref<80xi32, #tpu.memory_space<vmem>>) target_semaphore(%run_scoped3A : memref<!tpu.dma_semaphore, #tpu.memory_space<semaphore_mem>>)
      %dma_wait3A_73 = tpu.memref_slice %arg5[%add3A_44] : memref<320000xi32, #tpu.memory_space<hbm>> -> memref<80xi32, #tpu.memory_space<hbm>>
      %dma_wait3A_74 = tpu.memref_slice %arg5[%add3A_44] : memref<320000xi32, #tpu.memory_space<hbm>> -> memref<80xi32, #tpu.memory_space<hbm>>
      tpu.wait_dma2 semaphore(%run_scoped3A : memref<!tpu.dma_semaphore, #tpu.memory_space<semaphore_mem>>) src(%dma_wait3A_74 : memref<80xi32, #tpu.memory_space<hbm>>) dst(%arg9 : memref<80xi32, #tpu.memory_space<vmem>>)
      tpu.yield
    }) : () -> ()
    %dma_start3A = arith.constant 0 : i32
    %dma_start3A_45 = arith.constant 0 : i32
    %dma_start3A_46 = tpu.memref_slice %arg2[%dma_start3A, %dma_start3A_45] : memref<10000x128xf32, #tpu.memory_space<hbm>> -> memref<10000x128xf32, #tpu.memory_space<hbm>>
    tpu.enqueue_indirect_dma source(%dma_start3A_46 : memref<10000x128xf32, #tpu.memory_space<hbm>>) target(%arg10 : memref<80x128xf32, #tpu.memory_space<vmem>>) offsets(%arg8 : memref<80xi32, #tpu.memory_space<vmem>>) semaphore(%arg22 : memref<!tpu.dma_semaphore, #tpu.memory_space<semaphore_mem>>)
    %dma_start3A_47 = arith.constant 0 : i32
    %dma_start3A_48 = arith.constant 0 : i32
    %dma_start3A_49 = tpu.memref_slice %arg3[%dma_start3A_47, %dma_start3A_48] : memref<10000x16xf32, #tpu.memory_space<hbm>> -> memref<10000x16xf32, #tpu.memory_space<hbm>>
    tpu.enqueue_indirect_dma source(%dma_start3A_49 : memref<10000x16xf32, #tpu.memory_space<hbm>>) target(%arg11 : memref<80x16xf32, #tpu.memory_space<vmem>>) offsets(%arg8 : memref<80xi32, #tpu.memory_space<vmem>>) semaphore(%arg22 : memref<!tpu.dma_semaphore, #tpu.memory_space<semaphore_mem>>)
    %dma_start3A_50 = arith.constant 0 : i32
    %dma_start3A_51 = arith.constant 0 : i32
    %dma_start3A_52 = tpu.memref_slice %arg3[%dma_start3A_50, %dma_start3A_51] : memref<10000x16xf32, #tpu.memory_space<hbm>> -> memref<10000x16xf32, #tpu.memory_space<hbm>>
    tpu.enqueue_indirect_dma source(%dma_start3A_52 : memref<10000x16xf32, #tpu.memory_space<hbm>>) target(%arg12 : memref<80x16xf32, #tpu.memory_space<vmem>>) offsets(%arg9 : memref<80xi32, #tpu.memory_space<vmem>>) semaphore(%arg22 : memref<!tpu.dma_semaphore, #tpu.memory_space<semaphore_mem>>)
    %scan3A_53 = arith.constant 0 : i32
    %scan3A_54 = arith.constant 0 : i32
    %scan3A_55 = arith.constant 62 : i32
    %scan3A_56 = arith.addi %scan3A_54, %scan3A_55 : i32
    %scan3A_57 = arith.constant 1 : i32
    %scan3A_58 = scf.for %scan3A_71 = %scan3A_54 to %scan3A_56 step %scan3A_57 iter_args(%scan3A_72 = %scan3A_53) -> (i32)  : i32 {
      %mul3A_73 = arith.constant 2 : i32
      %mul3A_74 = arith.muli %mul3A_73, %scan3A_71 : i32
      %add3A_75 = arith.constant 1 : i32
      %add3A_76 = arith.addi %mul3A_74, %add3A_75 : i32
      %mul3A_77 = arith.constant 10000 : i32
      %mul3A_78 = arith.muli %add3A, %mul3A_77 : i32
      %mul3A_79 = arith.constant 80 : i32
      %mul3A_80 = arith.muli %add3A_76, %mul3A_79 : i32
      %add3A_81 = arith.addi %mul3A_78, %mul3A_80 : i32
      "tpu.region"() ({
        %run_scoped3A = tpu.sem_alloc : memref<!tpu.dma_semaphore, #tpu.memory_space<semaphore_mem>>
        %dma_start3A_134 = tpu.memref_slice %arg4[%add3A_81] : memref<320000xi32, #tpu.memory_space<hbm>> -> memref<80xi32, #tpu.memory_space<hbm>>
        %dma_start3A_135 = tpu.memref_slice %arg4[%add3A_81] : memref<320000xi32, #tpu.memory_space<hbm>> -> memref<80xi32, #tpu.memory_space<hbm>>
        tpu.enqueue_dma source(%dma_start3A_135 : memref<80xi32, #tpu.memory_space<hbm>>) target(%arg14 : memref<80xi32, #tpu.memory_space<vmem>>) target_semaphore(%run_scoped3A : memref<!tpu.dma_semaphore, #tpu.memory_space<semaphore_mem>>)
        %dma_wait3A_136 = tpu.memref_slice %arg4[%add3A_81] : memref<320000xi32, #tpu.memory_space<hbm>> -> memref<80xi32, #tpu.memory_space<hbm>>
        %dma_wait3A_137 = tpu.memref_slice %arg4[%add3A_81] : memref<320000xi32, #tpu.memory_space<hbm>> -> memref<80xi32, #tpu.memory_space<hbm>>
        tpu.wait_dma2 semaphore(%run_scoped3A : memref<!tpu.dma_semaphore, #tpu.memory_space<semaphore_mem>>) src(%dma_wait3A_137 : memref<80xi32, #tpu.memory_space<hbm>>) dst(%arg14 : memref<80xi32, #tpu.memory_space<vmem>>)
        tpu.yield
      }) : () -> ()
      "tpu.region"() ({
        %run_scoped3A = tpu.sem_alloc : memref<!tpu.dma_semaphore, #tpu.memory_space<semaphore_mem>>
        %dma_start3A_134 = tpu.memref_slice %arg5[%add3A_81] : memref<320000xi32, #tpu.memory_space<hbm>> -> memref<80xi32, #tpu.memory_space<hbm>>
        %dma_start3A_135 = tpu.memref_slice %arg5[%add3A_81] : memref<320000xi32, #tpu.memory_space<hbm>> -> memref<80xi32, #tpu.memory_space<hbm>>
        tpu.enqueue_dma source(%dma_start3A_135 : memref<80xi32, #tpu.memory_space<hbm>>) target(%arg15 : memref<80xi32, #tpu.memory_space<vmem>>) target_semaphore(%run_scoped3A : memref<!tpu.dma_semaphore, #tpu.memory_space<semaphore_mem>>)
        %dma_wait3A_136 = tpu.memref_slice %arg5[%add3A_81] : memref<320000xi32, #tpu.memory_space<hbm>> -> memref<80xi32, #tpu.memory_space<hbm>>
        %dma_wait3A_137 = tpu.memref_slice %arg5[%add3A_81] : memref<320000xi32, #tpu.memory_space<hbm>> -> memref<80xi32, #tpu.memory_space<hbm>>
        tpu.wait_dma2 semaphore(%run_scoped3A : memref<!tpu.dma_semaphore, #tpu.memory_space<semaphore_mem>>) src(%dma_wait3A_137 : memref<80xi32, #tpu.memory_space<hbm>>) dst(%arg15 : memref<80xi32, #tpu.memory_space<vmem>>)
        tpu.yield
      }) : () -> ()
      %dma_start3A_82 = arith.constant 0 : i32
      %dma_start3A_83 = arith.constant 0 : i32
      %dma_start3A_84 = tpu.memref_slice %arg2[%dma_start3A_82, %dma_start3A_83] : memref<10000x128xf32, #tpu.memory_space<hbm>> -> memref<10000x128xf32, #tpu.memory_space<hbm>>
      tpu.enqueue_indirect_dma source(%dma_start3A_84 : memref<10000x128xf32, #tpu.memory_space<hbm>>) target(%arg16 : memref<80x128xf32, #tpu.memory_space<vmem>>) offsets(%arg14 : memref<80xi32, #tpu.memory_space<vmem>>) semaphore(%arg23 : memref<!tpu.dma_semaphore, #tpu.memory_space<semaphore_mem>>)
      %dma_start3A_85 = arith.constant 0 : i32
      %dma_start3A_86 = arith.constant 0 : i32
      %dma_start3A_87 = tpu.memref_slice %arg3[%dma_start3A_85, %dma_start3A_86] : memref<10000x16xf32, #tpu.memory_space<hbm>> -> memref<10000x16xf32, #tpu.memory_space<hbm>>
      tpu.enqueue_indirect_dma source(%dma_start3A_87 : memref<10000x16xf32, #tpu.memory_space<hbm>>) target(%arg17 : memref<80x16xf32, #tpu.memory_space<vmem>>) offsets(%arg14 : memref<80xi32, #tpu.memory_space<vmem>>) semaphore(%arg23 : memref<!tpu.dma_semaphore, #tpu.memory_space<semaphore_mem>>)
      %dma_start3A_88 = arith.constant 0 : i32
      %dma_start3A_89 = arith.constant 0 : i32
      %dma_start3A_90 = tpu.memref_slice %arg3[%dma_start3A_88, %dma_start3A_89] : memref<10000x16xf32, #tpu.memory_space<hbm>> -> memref<10000x16xf32, #tpu.memory_space<hbm>>
      tpu.enqueue_indirect_dma source(%dma_start3A_90 : memref<10000x16xf32, #tpu.memory_space<hbm>>) target(%arg18 : memref<80x16xf32, #tpu.memory_space<vmem>>) offsets(%arg15 : memref<80xi32, #tpu.memory_space<vmem>>) semaphore(%arg23 : memref<!tpu.dma_semaphore, #tpu.memory_space<semaphore_mem>>)
      %dma_wait3A_91 = arith.constant 0 : i32
      %dma_wait3A_92 = arith.constant 0 : i32
      %dma_wait3A_93 = tpu.memref_slice %arg2[%dma_wait3A_91, %dma_wait3A_92] : memref<10000x128xf32, #tpu.memory_space<hbm>> -> memref<10000x128xf32, #tpu.memory_space<hbm>>
      tpu.wait_indirect_dma semaphore(%arg22 : memref<!tpu.dma_semaphore, #tpu.memory_space<semaphore_mem>>) src(%dma_wait3A_93 : memref<10000x128xf32, #tpu.memory_space<hbm>>) dst(%arg10 : memref<80x128xf32, #tpu.memory_space<vmem>>)
      %dma_wait3A_94 = arith.constant 0 : i32
      %dma_wait3A_95 = arith.constant 0 : i32
      %dma_wait3A_96 = tpu.memref_slice %arg3[%dma_wait3A_94, %dma_wait3A_95] : memref<10000x16xf32, #tpu.memory_space<hbm>> -> memref<10000x16xf32, #tpu.memory_space<hbm>>
      tpu.wait_indirect_dma semaphore(%arg22 : memref<!tpu.dma_semaphore, #tpu.memory_space<semaphore_mem>>) src(%dma_wait3A_96 : memref<10000x16xf32, #tpu.memory_space<hbm>>) dst(%arg11 : memref<80x16xf32, #tpu.memory_space<vmem>>)
      %dma_wait3A_97 = arith.constant 0 : i32
      %dma_wait3A_98 = arith.constant 0 : i32
      %dma_wait3A_99 = tpu.memref_slice %arg3[%dma_wait3A_97, %dma_wait3A_98] : memref<10000x16xf32, #tpu.memory_space<hbm>> -> memref<10000x16xf32, #tpu.memory_space<hbm>>
      tpu.wait_indirect_dma semaphore(%arg22 : memref<!tpu.dma_semaphore, #tpu.memory_space<semaphore_mem>>) src(%dma_wait3A_99 : memref<10000x16xf32, #tpu.memory_space<hbm>>) dst(%arg12 : memref<80x16xf32, #tpu.memory_space<vmem>>)
      %parallel_loop3A_100 = arith.constant 0 : i32
      %parallel_loop3A_101 = arith.constant 80 : i32
      %parallel_loop3A_102 = arith.constant 1 : i32
      scf.for %parallel_loop3A_134 = %parallel_loop3A_100 to %parallel_loop3A_101 step %parallel_loop3A_102  : i32 {
        %parallel_loop3A_135 = tpu.iota {dimensions = array<i32: 0>} : vector<16xi32>
        %parallel_loop3A_136 = arith.constant 8 : i32
        %parallel_loop3A_137 = vector.broadcast %parallel_loop3A_136 : i32 to vector<16xi32>
        %parallel_loop3A_138 = arith.cmpi slt, %parallel_loop3A_135, %parallel_loop3A_137 : vector<16xi32>
        %parallel_loop3A_139 = arith.constant 8 : i32
        %parallel_loop3A_140 = vector.broadcast %parallel_loop3A_139 : i32 to vector<16xi32>
        %parallel_loop3A_141 = arith.addi %parallel_loop3A_135, %parallel_loop3A_140 : vector<16xi32>
        %parallel_loop3A_142 = arith.select %parallel_loop3A_138, %parallel_loop3A_141, %parallel_loop3A_135 : vector<16xi1>, vector<16xi32>
        %parallel_loop3A_143 = arith.index_cast %parallel_loop3A_134 : i32 to index
        %parallel_loop3A_144 = arith.constant 0 : index
        %parallel_loop3A_145 = tpu.vector_load %arg11[%parallel_loop3A_143, %parallel_loop3A_144] {strides = array<i32>} : memref<80x16xf32, #tpu.memory_space<vmem>>, vector<1x16xf32>,
        %parallel_loop3A_146 = vector.shape_cast %parallel_loop3A_145 : vector<1x16xf32> to vector<16xf32>
        %parallel_loop3A_147 = arith.index_cast %parallel_loop3A_134 : i32 to index
        %parallel_loop3A_148 = arith.constant 0 : index
        %parallel_loop3A_149 = tpu.vector_load %arg12[%parallel_loop3A_147, %parallel_loop3A_148] {strides = array<i32>} : memref<80x16xf32, #tpu.memory_space<vmem>>, vector<1x16xf32>,
        %parallel_loop3A_150 = vector.shape_cast %parallel_loop3A_149 : vector<1x16xf32> to vector<16xf32>
        %parallel_loop3A_151 = vector.shape_cast %parallel_loop3A_142 : vector<16xi32> to vector<16x1xi32>
        %parallel_loop3A_152 = vector.shape_cast %parallel_loop3A_151 : vector<16x1xi32> to vector<16xi32>
        %parallel_loop3A_153 = tpu.dynamic_gather %parallel_loop3A_150[%parallel_loop3A_152] in [0] : vector<16xf32>, vector<16xi32> -> vector<16xf32>
        %parallel_loop3A_154 = arith.addf %parallel_loop3A_146, %parallel_loop3A_153 : vector<16xf32>
        %parallel_loop3A_155 = arith.constant 2.000000e-01 : f32
        %parallel_loop3A_156 = vector.broadcast %parallel_loop3A_155 : f32 to vector<16xf32>
        %parallel_loop3A_157 = arith.mulf %parallel_loop3A_154, %parallel_loop3A_156 : vector<16xf32>
        %parallel_loop3A_158 = arith.maximumf %parallel_loop3A_154, %parallel_loop3A_157 : vector<16xf32>
        %parallel_loop3A_159 = arith.constant 4 : i32
        %parallel_loop3A_160 = vector.broadcast %parallel_loop3A_159 : i32 to vector<16xi32>
        %parallel_loop3A_161 = arith.cmpi slt, %parallel_loop3A_135, %parallel_loop3A_160 : vector<16xi32>
        %parallel_loop3A_162 = math.exp %parallel_loop3A_158 : vector<16xf32>
        %parallel_loop3A_163 = arith.constant 0.000000e+00 : f32
        %parallel_loop3A_164 = vector.broadcast %parallel_loop3A_163 : f32 to vector<16xf32>
        %parallel_loop3A_165 = arith.select %parallel_loop3A_161, %parallel_loop3A_162, %parallel_loop3A_164 : vector<16xi1>, vector<16xf32>
        %parallel_loop3A_166 = arith.index_cast %parallel_loop3A_134 : i32 to index
        %parallel_loop3A_167 = arith.constant 0 : index
        %parallel_loop3A_168 = tpu.vector_load %arg13[%parallel_loop3A_166, %parallel_loop3A_167] {strides = array<i32>} : memref<80x16xf32, #tpu.memory_space<vmem>>, vector<1x16xf32>,
        %parallel_loop3A_169 = vector.shape_cast %parallel_loop3A_168 : vector<1x16xf32> to vector<16xf32>
        %parallel_loop3A_170 = vector.shape_cast %parallel_loop3A_165 : vector<16xf32> to vector<1x16xf32>
        tpu.vector_store %arg13[%parallel_loop3A_166, %parallel_loop3A_167], %parallel_loop3A_170 {strides = array<i32>} : memref<80x16xf32, #tpu.memory_space<vmem>>, vector<1x16xf32>,
      } {sc.loop_unroll_factor = 2 : i64, sc.parallel_access}
      "tpu.region"() ({
        %run_scoped3A = tpu.sem_alloc : memref<!tpu.dma_semaphore, #tpu.memory_space<semaphore_mem>>
        %dma_start3A_134 = arith.constant 0 : i32
        %dma_start3A_135 = arith.constant 0 : i32
        %dma_start3A_136 = tpu.memref_slice %arg20[%dma_start3A_134, %dma_start3A_135] : memref<10240x128xf32, #tpu.memory_space<vmem_shared>> -> memref<10240x128xf32, #tpu.memory_space<vmem_shared>>
        tpu.enqueue_indirect_dma source(%arg10 : memref<80x128xf32, #tpu.memory_space<vmem>>) target(%dma_start3A_136 : memref<10240x128xf32, #tpu.memory_space<vmem_shared>>) offsets(%arg9 : memref<80xi32, #tpu.memory_space<vmem>>) semaphore(%run_scoped3A : memref<!tpu.dma_semaphore, #tpu.memory_space<semaphore_mem>>) {add = true}
        %dma_wait3A_137 = arith.constant 0 : i32
        %dma_wait3A_138 = arith.constant 0 : i32
        %dma_wait3A_139 = tpu.memref_slice %arg20[%dma_wait3A_137, %dma_wait3A_138] : memref<10240x128xf32, #tpu.memory_space<vmem_shared>> -> memref<10240x128xf32, #tpu.memory_space<vmem_shared>>
        tpu.wait_indirect_dma semaphore(%run_scoped3A : memref<!tpu.dma_semaphore, #tpu.memory_space<semaphore_mem>>) src(%arg10 : memref<80x128xf32, #tpu.memory_space<vmem>>) dst(%dma_wait3A_139 : memref<10240x128xf32, #tpu.memory_space<vmem_shared>>)
        tpu.yield
      }) : () -> ()
      "tpu.region"() ({
        %run_scoped3A = tpu.sem_alloc : memref<!tpu.dma_semaphore, #tpu.memory_space<semaphore_mem>>
        %dma_start3A_134 = arith.constant 0 : i32
        %dma_start3A_135 = arith.constant 0 : i32
        %dma_start3A_136 = tpu.memref_slice %arg21[%dma_start3A_134, %dma_start3A_135] : memref<10240x16xf32, #tpu.memory_space<vmem_shared>> -> memref<10240x16xf32, #tpu.memory_space<vmem_shared>>
        tpu.enqueue_indirect_dma source(%arg13 : memref<80x16xf32, #tpu.memory_space<vmem>>) target(%dma_start3A_136 : memref<10240x16xf32, #tpu.memory_space<vmem_shared>>) offsets(%arg9 : memref<80xi32, #tpu.memory_space<vmem>>) semaphore(%run_scoped3A : memref<!tpu.dma_semaphore, #tpu.memory_space<semaphore_mem>>) {add = true}
        %dma_wait3A_137 = arith.constant 0 : i32
        %dma_wait3A_138 = arith.constant 0 : i32
        %dma_wait3A_139 = tpu.memref_slice %arg21[%dma_wait3A_137, %dma_wait3A_138] : memref<10240x16xf32, #tpu.memory_space<vmem_shared>> -> memref<10240x16xf32, #tpu.memory_space<vmem_shared>>
        tpu.wait_indirect_dma semaphore(%run_scoped3A : memref<!tpu.dma_semaphore, #tpu.memory_space<semaphore_mem>>) src(%arg13 : memref<80x16xf32, #tpu.memory_space<vmem>>) dst(%dma_wait3A_139 : memref<10240x16xf32, #tpu.memory_space<vmem_shared>>)
        tpu.yield
      }) : () -> ()
      %mul3A_103 = arith.constant 2 : i32
      %mul3A_104 = arith.muli %mul3A_103, %scan3A_71 : i32
      %add3A_105 = arith.constant 2 : i32
      %add3A_106 = arith.addi %mul3A_104, %add3A_105 : i32
      %mul3A_107 = arith.constant 10000 : i32
      %mul3A_108 = arith.muli %add3A, %mul3A_107 : i32
      %mul3A_109 = arith.constant 80 : i32
      %mul3A_110 = arith.muli %add3A_106, %mul3A_109 : i32
      %add3A_111 = arith.addi %mul3A_108, %mul3A_110 : i32
      "tpu.region"() ({
        %run_scoped3A = tpu.sem_alloc : memref<!tpu.dma_semaphore, #tpu.memory_space<semaphore_mem>>
        %dma_start3A_134 = tpu.memref_slice %arg4[%add3A_111] : memref<320000xi32, #tpu.memory_space<hbm>> -> memref<80xi32, #tpu.memory_space<hbm>>
        %dma_start3A_135 = tpu.memref_slice %arg4[%add3A_111] : memref<320000xi32, #tpu.memory_space<hbm>> -> memref<80xi32, #tpu.memory_space<hbm>>
        tpu.enqueue_dma source(%dma_start3A_135 : memref<80xi32, #tpu.memory_space<hbm>>) target(%arg8 : memref<80xi32, #tpu.memory_space<vmem>>) target_semaphore(%run_scoped3A : memref<!tpu.dma_semaphore, #tpu.memory_space<semaphore_mem>>)
        %dma_wait3A_136 = tpu.memref_slice %arg4[%add3A_111] : memref<320000xi32, #tpu.memory_space<hbm>> -> memref<80xi32, #tpu.memory_space<hbm>>
        %dma_wait3A_137 = tpu.memref_slice %arg4[%add3A_111] : memref<320000xi32, #tpu.memory_space<hbm>> -> memref<80xi32, #tpu.memory_space<hbm>>
        tpu.wait_dma2 semaphore(%run_scoped3A : memref<!tpu.dma_semaphore, #tpu.memory_space<semaphore_mem>>) src(%dma_wait3A_137 : memref<80xi32, #tpu.memory_space<hbm>>) dst(%arg8 : memref<80xi32, #tpu.memory_space<vmem>>)
        tpu.yield
      }) : () -> ()
      "tpu.region"() ({
        %run_scoped3A = tpu.sem_alloc : memref<!tpu.dma_semaphore, #tpu.memory_space<semaphore_mem>>
        %dma_start3A_134 = tpu.memref_slice %arg5[%add3A_111] : memref<320000xi32, #tpu.memory_space<hbm>> -> memref<80xi32, #tpu.memory_space<hbm>>
        %dma_start3A_135 = tpu.memref_slice %arg5[%add3A_111] : memref<320000xi32, #tpu.memory_space<hbm>> -> memref<80xi32, #tpu.memory_space<hbm>>
        tpu.enqueue_dma source(%dma_start3A_135 : memref<80xi32, #tpu.memory_space<hbm>>) target(%arg9 : memref<80xi32, #tpu.memory_space<vmem>>) target_semaphore(%run_scoped3A : memref<!tpu.dma_semaphore, #tpu.memory_space<semaphore_mem>>)
        %dma_wait3A_136 = tpu.memref_slice %arg5[%add3A_111] : memref<320000xi32, #tpu.memory_space<hbm>> -> memref<80xi32, #tpu.memory_space<hbm>>
        %dma_wait3A_137 = tpu.memref_slice %arg5[%add3A_111] : memref<320000xi32, #tpu.memory_space<hbm>> -> memref<80xi32, #tpu.memory_space<hbm>>
        tpu.wait_dma2 semaphore(%run_scoped3A : memref<!tpu.dma_semaphore, #tpu.memory_space<semaphore_mem>>) src(%dma_wait3A_137 : memref<80xi32, #tpu.memory_space<hbm>>) dst(%arg9 : memref<80xi32, #tpu.memory_space<vmem>>)
        tpu.yield
      }) : () -> ()
      %dma_start3A_112 = arith.constant 0 : i32
      %dma_start3A_113 = arith.constant 0 : i32
      %dma_start3A_114 = tpu.memref_slice %arg2[%dma_start3A_112, %dma_start3A_113] : memref<10000x128xf32, #tpu.memory_space<hbm>> -> memref<10000x128xf32, #tpu.memory_space<hbm>>
      tpu.enqueue_indirect_dma source(%dma_start3A_114 : memref<10000x128xf32, #tpu.memory_space<hbm>>) target(%arg10 : memref<80x128xf32, #tpu.memory_space<vmem>>) offsets(%arg8 : memref<80xi32, #tpu.memory_space<vmem>>) semaphore(%arg22 : memref<!tpu.dma_semaphore, #tpu.memory_space<semaphore_mem>>)
      %dma_start3A_115 = arith.constant 0 : i32
      %dma_start3A_116 = arith.constant 0 : i32
      %dma_start3A_117 = tpu.memref_slice %arg3[%dma_start3A_115, %dma_start3A_116] : memref<10000x16xf32, #tpu.memory_space<hbm>> -> memref<10000x16xf32, #tpu.memory_space<hbm>>
      tpu.enqueue_indirect_dma source(%dma_start3A_117 : memref<10000x16xf32, #tpu.memory_space<hbm>>) target(%arg11 : memref<80x16xf32, #tpu.memory_space<vmem>>) offsets(%arg8 : memref<80xi32, #tpu.memory_space<vmem>>) semaphore(%arg22 : memref<!tpu.dma_semaphore, #tpu.memory_space<semaphore_mem>>)
      %dma_start3A_118 = arith.constant 0 : i32
      %dma_start3A_119 = arith.constant 0 : i32
      %dma_start3A_120 = tpu.memref_slice %arg3[%dma_start3A_118, %dma_start3A_119] : memref<10000x16xf32, #tpu.memory_space<hbm>> -> memref<10000x16xf32, #tpu.memory_space<hbm>>
      tpu.enqueue_indirect_dma source(%dma_start3A_120 : memref<10000x16xf32, #tpu.memory_space<hbm>>) target(%arg12 : memref<80x16xf32, #tpu.memory_space<vmem>>) offsets(%arg9 : memref<80xi32, #tpu.memory_space<vmem>>) semaphore(%arg22 : memref<!tpu.dma_semaphore, #tpu.memory_space<semaphore_mem>>)
      %dma_wait3A_121 = arith.constant 0 : i32
      %dma_wait3A_122 = arith.constant 0 : i32
      %dma_wait3A_123 = tpu.memref_slice %arg2[%dma_wait3A_121, %dma_wait3A_122] : memref<10000x128xf32, #tpu.memory_space<hbm>> -> memref<10000x128xf32, #tpu.memory_space<hbm>>
      tpu.wait_indirect_dma semaphore(%arg23 : memref<!tpu.dma_semaphore, #tpu.memory_space<semaphore_mem>>) src(%dma_wait3A_123 : memref<10000x128xf32, #tpu.memory_space<hbm>>) dst(%arg16 : memref<80x128xf32, #tpu.memory_space<vmem>>)
      %dma_wait3A_124 = arith.constant 0 : i32
      %dma_wait3A_125 = arith.constant 0 : i32
      %dma_wait3A_126 = tpu.memref_slice %arg3[%dma_wait3A_124, %dma_wait3A_125] : memref<10000x16xf32, #tpu.memory_space<hbm>> -> memref<10000x16xf32, #tpu.memory_space<hbm>>
      tpu.wait_indirect_dma semaphore(%arg23 : memref<!tpu.dma_semaphore, #tpu.memory_space<semaphore_mem>>) src(%dma_wait3A_126 : memref<10000x16xf32, #tpu.memory_space<hbm>>) dst(%arg17 : memref<80x16xf32, #tpu.memory_space<vmem>>)
      %dma_wait3A_127 = arith.constant 0 : i32
      %dma_wait3A_128 = arith.constant 0 : i32
      %dma_wait3A_129 = tpu.memref_slice %arg3[%dma_wait3A_127, %dma_wait3A_128] : memref<10000x16xf32, #tpu.memory_space<hbm>> -> memref<10000x16xf32, #tpu.memory_space<hbm>>
      tpu.wait_indirect_dma semaphore(%arg23 : memref<!tpu.dma_semaphore, #tpu.memory_space<semaphore_mem>>) src(%dma_wait3A_129 : memref<10000x16xf32, #tpu.memory_space<hbm>>) dst(%arg18 : memref<80x16xf32, #tpu.memory_space<vmem>>)
      %parallel_loop3A_130 = arith.constant 0 : i32
      %parallel_loop3A_131 = arith.constant 80 : i32
      %parallel_loop3A_132 = arith.constant 1 : i32
      scf.for %parallel_loop3A_134 = %parallel_loop3A_130 to %parallel_loop3A_131 step %parallel_loop3A_132  : i32 {
        %parallel_loop3A_135 = tpu.iota {dimensions = array<i32: 0>} : vector<16xi32>
        %parallel_loop3A_136 = arith.constant 8 : i32
        %parallel_loop3A_137 = vector.broadcast %parallel_loop3A_136 : i32 to vector<16xi32>
        %parallel_loop3A_138 = arith.cmpi slt, %parallel_loop3A_135, %parallel_loop3A_137 : vector<16xi32>
        %parallel_loop3A_139 = arith.constant 8 : i32
        %parallel_loop3A_140 = vector.broadcast %parallel_loop3A_139 : i32 to vector<16xi32>
        %parallel_loop3A_141 = arith.addi %parallel_loop3A_135, %parallel_loop3A_140 : vector<16xi32>
        %parallel_loop3A_142 = arith.select %parallel_loop3A_138, %parallel_loop3A_141, %parallel_loop3A_135 : vector<16xi1>, vector<16xi32>
        %parallel_loop3A_143 = arith.index_cast %parallel_loop3A_134 : i32 to index
        %parallel_loop3A_144 = arith.constant 0 : index
        %parallel_loop3A_145 = tpu.vector_load %arg17[%parallel_loop3A_143, %parallel_loop3A_144] {strides = array<i32>} : memref<80x16xf32, #tpu.memory_space<vmem>>, vector<1x16xf32>,
        %parallel_loop3A_146 = vector.shape_cast %parallel_loop3A_145 : vector<1x16xf32> to vector<16xf32>
        %parallel_loop3A_147 = arith.index_cast %parallel_loop3A_134 : i32 to index
        %parallel_loop3A_148 = arith.constant 0 : index
        %parallel_loop3A_149 = tpu.vector_load %arg18[%parallel_loop3A_147, %parallel_loop3A_148] {strides = array<i32>} : memref<80x16xf32, #tpu.memory_space<vmem>>, vector<1x16xf32>,
        %parallel_loop3A_150 = vector.shape_cast %parallel_loop3A_149 : vector<1x16xf32> to vector<16xf32>
        %parallel_loop3A_151 = vector.shape_cast %parallel_loop3A_142 : vector<16xi32> to vector<16x1xi32>
        %parallel_loop3A_152 = vector.shape_cast %parallel_loop3A_151 : vector<16x1xi32> to vector<16xi32>
        %parallel_loop3A_153 = tpu.dynamic_gather %parallel_loop3A_150[%parallel_loop3A_152] in [0] : vector<16xf32>, vector<16xi32> -> vector<16xf32>
        %parallel_loop3A_154 = arith.addf %parallel_loop3A_146, %parallel_loop3A_153 : vector<16xf32>
        %parallel_loop3A_155 = arith.constant 2.000000e-01 : f32
        %parallel_loop3A_156 = vector.broadcast %parallel_loop3A_155 : f32 to vector<16xf32>
        %parallel_loop3A_157 = arith.mulf %parallel_loop3A_154, %parallel_loop3A_156 : vector<16xf32>
        %parallel_loop3A_158 = arith.maximumf %parallel_loop3A_154, %parallel_loop3A_157 : vector<16xf32>
        %parallel_loop3A_159 = arith.constant 4 : i32
        %parallel_loop3A_160 = vector.broadcast %parallel_loop3A_159 : i32 to vector<16xi32>
        %parallel_loop3A_161 = arith.cmpi slt, %parallel_loop3A_135, %parallel_loop3A_160 : vector<16xi32>
        %parallel_loop3A_162 = math.exp %parallel_loop3A_158 : vector<16xf32>
        %parallel_loop3A_163 = arith.constant 0.000000e+00 : f32
        %parallel_loop3A_164 = vector.broadcast %parallel_loop3A_163 : f32 to vector<16xf32>
        %parallel_loop3A_165 = arith.select %parallel_loop3A_161, %parallel_loop3A_162, %parallel_loop3A_164 : vector<16xi1>, vector<16xf32>
        %parallel_loop3A_166 = arith.index_cast %parallel_loop3A_134 : i32 to index
        %parallel_loop3A_167 = arith.constant 0 : index
        %parallel_loop3A_168 = tpu.vector_load %arg19[%parallel_loop3A_166, %parallel_loop3A_167] {strides = array<i32>} : memref<80x16xf32, #tpu.memory_space<vmem>>, vector<1x16xf32>,
        %parallel_loop3A_169 = vector.shape_cast %parallel_loop3A_168 : vector<1x16xf32> to vector<16xf32>
        %parallel_loop3A_170 = vector.shape_cast %parallel_loop3A_165 : vector<16xf32> to vector<1x16xf32>
        tpu.vector_store %arg19[%parallel_loop3A_166, %parallel_loop3A_167], %parallel_loop3A_170 {strides = array<i32>} : memref<80x16xf32, #tpu.memory_space<vmem>>, vector<1x16xf32>,
      } {sc.loop_unroll_factor = 2 : i64, sc.parallel_access}
      "tpu.region"() ({
        %run_scoped3A = tpu.sem_alloc : memref<!tpu.dma_semaphore, #tpu.memory_space<semaphore_mem>>
        %dma_start3A_134 = arith.constant 0 : i32
        %dma_start3A_135 = arith.constant 0 : i32
        %dma_start3A_136 = tpu.memref_slice %arg20[%dma_start3A_134, %dma_start3A_135] : memref<10240x128xf32, #tpu.memory_space<vmem_shared>> -> memref<10240x128xf32, #tpu.memory_space<vmem_shared>>
        tpu.enqueue_indirect_dma source(%arg16 : memref<80x128xf32, #tpu.memory_space<vmem>>) target(%dma_start3A_136 : memref<10240x128xf32, #tpu.memory_space<vmem_shared>>) offsets(%arg15 : memref<80xi32, #tpu.memory_space<vmem>>) semaphore(%run_scoped3A : memref<!tpu.dma_semaphore, #tpu.memory_space<semaphore_mem>>) {add = true}
        %dma_wait3A_137 = arith.constant 0 : i32
        %dma_wait3A_138 = arith.constant 0 : i32
        %dma_wait3A_139 = tpu.memref_slice %arg20[%dma_wait3A_137, %dma_wait3A_138] : memref<10240x128xf32, #tpu.memory_space<vmem_shared>> -> memref<10240x128xf32, #tpu.memory_space<vmem_shared>>
        tpu.wait_indirect_dma semaphore(%run_scoped3A : memref<!tpu.dma_semaphore, #tpu.memory_space<semaphore_mem>>) src(%arg16 : memref<80x128xf32, #tpu.memory_space<vmem>>) dst(%dma_wait3A_139 : memref<10240x128xf32, #tpu.memory_space<vmem_shared>>)
        tpu.yield
      }) : () -> ()
      "tpu.region"() ({
        %run_scoped3A = tpu.sem_alloc : memref<!tpu.dma_semaphore, #tpu.memory_space<semaphore_mem>>
        %dma_start3A_134 = arith.constant 0 : i32
        %dma_start3A_135 = arith.constant 0 : i32
        %dma_start3A_136 = tpu.memref_slice %arg21[%dma_start3A_134, %dma_start3A_135] : memref<10240x16xf32, #tpu.memory_space<vmem_shared>> -> memref<10240x16xf32, #tpu.memory_space<vmem_shared>>
        tpu.enqueue_indirect_dma source(%arg19 : memref<80x16xf32, #tpu.memory_space<vmem>>) target(%dma_start3A_136 : memref<10240x16xf32, #tpu.memory_space<vmem_shared>>) offsets(%arg15 : memref<80xi32, #tpu.memory_space<vmem>>) semaphore(%run_scoped3A : memref<!tpu.dma_semaphore, #tpu.memory_space<semaphore_mem>>) {add = true}
        %dma_wait3A_137 = arith.constant 0 : i32
        %dma_wait3A_138 = arith.constant 0 : i32
        %dma_wait3A_139 = tpu.memref_slice %arg21[%dma_wait3A_137, %dma_wait3A_138] : memref<10240x16xf32, #tpu.memory_space<vmem_shared>> -> memref<10240x16xf32, #tpu.memory_space<vmem_shared>>
        tpu.wait_indirect_dma semaphore(%run_scoped3A : memref<!tpu.dma_semaphore, #tpu.memory_space<semaphore_mem>>) src(%arg19 : memref<80x16xf32, #tpu.memory_space<vmem>>) dst(%dma_wait3A_139 : memref<10240x16xf32, #tpu.memory_space<vmem_shared>>)
        tpu.yield
      }) : () -> ()
      %scan3A_133 = arith.constant 0 : i32
      scf.yield %scan3A_133 : i32
    }
    %scan3A_59 = arith.constant 62 : i32
    %dma_wait3A = arith.constant 0 : i32
    %dma_wait3A_60 = arith.constant 0 : i32
    %dma_wait3A_61 = tpu.memref_slice %arg2[%dma_wait3A, %dma_wait3A_60] : memref<10000x128xf32, #tpu.memory_space<hbm>> -> memref<10000x128xf32, #tpu.memory_space<hbm>>
    tpu.wait_indirect_dma semaphore(%arg22 : memref<!tpu.dma_semaphore, #tpu.memory_space<semaphore_mem>>) src(%dma_wait3A_61 : memref<10000x128xf32, #tpu.memory_space<hbm>>) dst(%arg10 : memref<80x128xf32, #tpu.memory_space<vmem>>)
    %dma_wait3A_62 = arith.constant 0 : i32
    %dma_wait3A_63 = arith.constant 0 : i32
    %dma_wait3A_64 = tpu.memref_slice %arg3[%dma_wait3A_62, %dma_wait3A_63] : memref<10000x16xf32, #tpu.memory_space<hbm>> -> memref<10000x16xf32, #tpu.memory_space<hbm>>
    tpu.wait_indirect_dma semaphore(%arg22 : memref<!tpu.dma_semaphore, #tpu.memory_space<semaphore_mem>>) src(%dma_wait3A_64 : memref<10000x16xf32, #tpu.memory_space<hbm>>) dst(%arg11 : memref<80x16xf32, #tpu.memory_space<vmem>>)
    %dma_wait3A_65 = arith.constant 0 : i32
    %dma_wait3A_66 = arith.constant 0 : i32
    %dma_wait3A_67 = tpu.memref_slice %arg3[%dma_wait3A_65, %dma_wait3A_66] : memref<10000x16xf32, #tpu.memory_space<hbm>> -> memref<10000x16xf32, #tpu.memory_space<hbm>>
    tpu.wait_indirect_dma semaphore(%arg22 : memref<!tpu.dma_semaphore, #tpu.memory_space<semaphore_mem>>) src(%dma_wait3A_67 : memref<10000x16xf32, #tpu.memory_space<hbm>>) dst(%arg12 : memref<80x16xf32, #tpu.memory_space<vmem>>)
    %parallel_loop3A = arith.constant 0 : i32
    %parallel_loop3A_68 = arith.constant 80 : i32
    %parallel_loop3A_69 = arith.constant 1 : i32
    scf.for %parallel_loop3A_71 = %parallel_loop3A to %parallel_loop3A_68 step %parallel_loop3A_69  : i32 {
      %parallel_loop3A_72 = tpu.iota {dimensions = array<i32: 0>} : vector<16xi32>
      %parallel_loop3A_73 = arith.constant 8 : i32
      %parallel_loop3A_74 = vector.broadcast %parallel_loop3A_73 : i32 to vector<16xi32>
      %parallel_loop3A_75 = arith.cmpi slt, %parallel_loop3A_72, %parallel_loop3A_74 : vector<16xi32>
      %parallel_loop3A_76 = arith.constant 8 : i32
      %parallel_loop3A_77 = vector.broadcast %parallel_loop3A_76 : i32 to vector<16xi32>
      %parallel_loop3A_78 = arith.addi %parallel_loop3A_72, %parallel_loop3A_77 : vector<16xi32>
      %parallel_loop3A_79 = arith.select %parallel_loop3A_75, %parallel_loop3A_78, %parallel_loop3A_72 : vector<16xi1>, vector<16xi32>
      %parallel_loop3A_80 = arith.index_cast %parallel_loop3A_71 : i32 to index
      %parallel_loop3A_81 = arith.constant 0 : index
      %parallel_loop3A_82 = tpu.vector_load %arg11[%parallel_loop3A_80, %parallel_loop3A_81] {strides = array<i32>} : memref<80x16xf32, #tpu.memory_space<vmem>>, vector<1x16xf32>,
      %parallel_loop3A_83 = vector.shape_cast %parallel_loop3A_82 : vector<1x16xf32> to vector<16xf32>
      %parallel_loop3A_84 = arith.index_cast %parallel_loop3A_71 : i32 to index
      %parallel_loop3A_85 = arith.constant 0 : index
      %parallel_loop3A_86 = tpu.vector_load %arg12[%parallel_loop3A_84, %parallel_loop3A_85] {strides = array<i32>} : memref<80x16xf32, #tpu.memory_space<vmem>>, vector<1x16xf32>,
      %parallel_loop3A_87 = vector.shape_cast %parallel_loop3A_86 : vector<1x16xf32> to vector<16xf32>
      %parallel_loop3A_88 = vector.shape_cast %parallel_loop3A_79 : vector<16xi32> to vector<16x1xi32>
      %parallel_loop3A_89 = vector.shape_cast %parallel_loop3A_88 : vector<16x1xi32> to vector<16xi32>
      %parallel_loop3A_90 = tpu.dynamic_gather %parallel_loop3A_87[%parallel_loop3A_89] in [0] : vector<16xf32>, vector<16xi32> -> vector<16xf32>
      %parallel_loop3A_91 = arith.addf %parallel_loop3A_83, %parallel_loop3A_90 : vector<16xf32>
      %parallel_loop3A_92 = arith.constant 2.000000e-01 : f32
      %parallel_loop3A_93 = vector.broadcast %parallel_loop3A_92 : f32 to vector<16xf32>
      %parallel_loop3A_94 = arith.mulf %parallel_loop3A_91, %parallel_loop3A_93 : vector<16xf32>
      %parallel_loop3A_95 = arith.maximumf %parallel_loop3A_91, %parallel_loop3A_94 : vector<16xf32>
      %parallel_loop3A_96 = arith.constant 4 : i32
      %parallel_loop3A_97 = vector.broadcast %parallel_loop3A_96 : i32 to vector<16xi32>
      %parallel_loop3A_98 = arith.cmpi slt, %parallel_loop3A_72, %parallel_loop3A_97 : vector<16xi32>
      %parallel_loop3A_99 = math.exp %parallel_loop3A_95 : vector<16xf32>
      %parallel_loop3A_100 = arith.constant 0.000000e+00 : f32
      %parallel_loop3A_101 = vector.broadcast %parallel_loop3A_100 : f32 to vector<16xf32>
      %parallel_loop3A_102 = arith.select %parallel_loop3A_98, %parallel_loop3A_99, %parallel_loop3A_101 : vector<16xi1>, vector<16xf32>
      %parallel_loop3A_103 = arith.index_cast %parallel_loop3A_71 : i32 to index
      %parallel_loop3A_104 = arith.constant 0 : index
      %parallel_loop3A_105 = tpu.vector_load %arg13[%parallel_loop3A_103, %parallel_loop3A_104] {strides = array<i32>} : memref<80x16xf32, #tpu.memory_space<vmem>>, vector<1x16xf32>,
      %parallel_loop3A_106 = vector.shape_cast %parallel_loop3A_105 : vector<1x16xf32> to vector<16xf32>
      %parallel_loop3A_107 = vector.shape_cast %parallel_loop3A_102 : vector<16xf32> to vector<1x16xf32>
      tpu.vector_store %arg13[%parallel_loop3A_103, %parallel_loop3A_104], %parallel_loop3A_107 {strides = array<i32>} : memref<80x16xf32, #tpu.memory_space<vmem>>, vector<1x16xf32>,
    } {sc.loop_unroll_factor = 2 : i64, sc.parallel_access}
    "tpu.region"() ({
      %run_scoped3A = tpu.sem_alloc : memref<!tpu.dma_semaphore, #tpu.memory_space<semaphore_mem>>
      %dma_start3A_71 = arith.constant 0 : i32
      %dma_start3A_72 = arith.constant 0 : i32
      %dma_start3A_73 = tpu.memref_slice %arg20[%dma_start3A_71, %dma_start3A_72] : memref<10240x128xf32, #tpu.memory_space<vmem_shared>> -> memref<10240x128xf32, #tpu.memory_space<vmem_shared>>
      tpu.enqueue_indirect_dma source(%arg10 : memref<80x128xf32, #tpu.memory_space<vmem>>) target(%dma_start3A_73 : memref<10240x128xf32, #tpu.memory_space<vmem_shared>>) offsets(%arg9 : memref<80xi32, #tpu.memory_space<vmem>>) semaphore(%run_scoped3A : memref<!tpu.dma_semaphore, #tpu.memory_space<semaphore_mem>>) {add = true}
      %dma_wait3A_74 = arith.constant 0 : i32
      %dma_wait3A_75 = arith.constant 0 : i32
      %dma_wait3A_76 = tpu.memref_slice %arg20[%dma_wait3A_74, %dma_wait3A_75] : memref<10240x128xf32, #tpu.memory_space<vmem_shared>> -> memref<10240x128xf32, #tpu.memory_space<vmem_shared>>
      tpu.wait_indirect_dma semaphore(%run_scoped3A : memref<!tpu.dma_semaphore, #tpu.memory_space<semaphore_mem>>) src(%arg10 : memref<80x128xf32, #tpu.memory_space<vmem>>) dst(%dma_wait3A_76 : memref<10240x128xf32, #tpu.memory_space<vmem_shared>>)
      tpu.yield
    }) : () -> ()
    "tpu.region"() ({
      %run_scoped3A = tpu.sem_alloc : memref<!tpu.dma_semaphore, #tpu.memory_space<semaphore_mem>>
      %dma_start3A_71 = arith.constant 0 : i32
      %dma_start3A_72 = arith.constant 0 : i32
      %dma_start3A_73 = tpu.memref_slice %arg21[%dma_start3A_71, %dma_start3A_72] : memref<10240x16xf32, #tpu.memory_space<vmem_shared>> -> memref<10240x16xf32, #tpu.memory_space<vmem_shared>>
      tpu.enqueue_indirect_dma source(%arg13 : memref<80x16xf32, #tpu.memory_space<vmem>>) target(%dma_start3A_73 : memref<10240x16xf32, #tpu.memory_space<vmem_shared>>) offsets(%arg9 : memref<80xi32, #tpu.memory_space<vmem>>) semaphore(%run_scoped3A : memref<!tpu.dma_semaphore, #tpu.memory_space<semaphore_mem>>) {add = true}
      %dma_wait3A_74 = arith.constant 0 : i32
      %dma_wait3A_75 = arith.constant 0 : i32
      %dma_wait3A_76 = tpu.memref_slice %arg21[%dma_wait3A_74, %dma_wait3A_75] : memref<10240x16xf32, #tpu.memory_space<vmem_shared>> -> memref<10240x16xf32, #tpu.memory_space<vmem_shared>>
      tpu.wait_indirect_dma semaphore(%run_scoped3A : memref<!tpu.dma_semaphore, #tpu.memory_space<semaphore_mem>>) src(%arg13 : memref<80x16xf32, #tpu.memory_space<vmem>>) dst(%dma_wait3A_76 : memref<10240x16xf32, #tpu.memory_space<vmem_shared>>)
      tpu.yield
    }) : () -> ()
    %barrier3A_70 = arith.constant 0 : index
    tpu.barrier barrier_id(%barrier3A_70)
    "tpu.region"() ({
      %run_scoped3A = tpu.sem_alloc : memref<!tpu.dma_semaphore, #tpu.memory_space<semaphore_mem>>
      %dma_start3A_71 = arith.constant 0 : i32
      %dma_start3A_72 = tpu.memref_slice %arg6[%arg0, %mul3A_8, %dma_start3A_71] : memref<2x10240x128xf32, #tpu.memory_space<hbm>> -> memref<1x640x128xf32, #tpu.memory_space<hbm>>
      %dma_start3A_73 = tpu.memref_squeeze %dma_start3A_72 : memref<1x640x128xf32, #tpu.memory_space<hbm>> -> memref<640x128xf32, #tpu.memory_space<hbm>>
      %dma_start3A_74 = arith.constant 0 : i32
      %dma_start3A_75 = tpu.memref_slice %arg20[%mul3A_8, %dma_start3A_74] : memref<10240x128xf32, #tpu.memory_space<vmem_shared>> -> memref<640x128xf32, #tpu.memory_space<vmem_shared>>
      tpu.enqueue_dma source(%dma_start3A_75 : memref<640x128xf32, #tpu.memory_space<vmem_shared>>) target(%dma_start3A_73 : memref<640x128xf32, #tpu.memory_space<hbm>>) target_semaphore(%run_scoped3A : memref<!tpu.dma_semaphore, #tpu.memory_space<semaphore_mem>>)
      %dma_wait3A_76 = arith.constant 0 : i32
      %dma_wait3A_77 = tpu.memref_slice %arg6[%arg0, %mul3A_8, %dma_wait3A_76] : memref<2x10240x128xf32, #tpu.memory_space<hbm>> -> memref<1x640x128xf32, #tpu.memory_space<hbm>>
      %dma_wait3A_78 = tpu.memref_squeeze %dma_wait3A_77 : memref<1x640x128xf32, #tpu.memory_space<hbm>> -> memref<640x128xf32, #tpu.memory_space<hbm>>
      %dma_wait3A_79 = arith.constant 0 : i32
      %dma_wait3A_80 = tpu.memref_slice %arg20[%mul3A_8, %dma_wait3A_79] : memref<10240x128xf32, #tpu.memory_space<vmem_shared>> -> memref<640x128xf32, #tpu.memory_space<vmem_shared>>
      tpu.wait_dma2 semaphore(%run_scoped3A : memref<!tpu.dma_semaphore, #tpu.memory_space<semaphore_mem>>) src(%dma_wait3A_80 : memref<640x128xf32, #tpu.memory_space<vmem_shared>>) dst(%dma_wait3A_78 : memref<640x128xf32, #tpu.memory_space<hbm>>)
      tpu.yield
    }) : () -> ()
    "tpu.region"() ({
      %run_scoped3A = tpu.sem_alloc : memref<!tpu.dma_semaphore, #tpu.memory_space<semaphore_mem>>
      %dma_start3A_71 = arith.constant 0 : i32
      %dma_start3A_72 = tpu.memref_slice %arg7[%arg0, %mul3A_8, %dma_start3A_71] : memref<2x10240x16xf32, #tpu.memory_space<hbm>> -> memref<1x640x16xf32, #tpu.memory_space<hbm>>
      %dma_start3A_73 = tpu.memref_squeeze %dma_start3A_72 : memref<1x640x16xf32, #tpu.memory_space<hbm>> -> memref<640x16xf32, #tpu.memory_space<hbm>>
      %dma_start3A_74 = arith.constant 0 : i32
      %dma_start3A_75 = tpu.memref_slice %arg21[%mul3A_8, %dma_start3A_74] : memref<10240x16xf32, #tpu.memory_space<vmem_shared>> -> memref<640x16xf32, #tpu.memory_space<vmem_shared>>
      tpu.enqueue_dma source(%dma_start3A_75 : memref<640x16xf32, #tpu.memory_space<vmem_shared>>) target(%dma_start3A_73 : memref<640x16xf32, #tpu.memory_space<hbm>>) target_semaphore(%run_scoped3A : memref<!tpu.dma_semaphore, #tpu.memory_space<semaphore_mem>>)
      %dma_wait3A_76 = arith.constant 0 : i32
      %dma_wait3A_77 = tpu.memref_slice %arg7[%arg0, %mul3A_8, %dma_wait3A_76] : memref<2x10240x16xf32, #tpu.memory_space<hbm>> -> memref<1x640x16xf32, #tpu.memory_space<hbm>>
      %dma_wait3A_78 = tpu.memref_squeeze %dma_wait3A_77 : memref<1x640x16xf32, #tpu.memory_space<hbm>> -> memref<640x16xf32, #tpu.memory_space<hbm>>
      %dma_wait3A_79 = arith.constant 0 : i32
      %dma_wait3A_80 = tpu.memref_slice %arg21[%mul3A_8, %dma_wait3A_79] : memref<10240x16xf32, #tpu.memory_space<vmem_shared>> -> memref<640x16xf32, #tpu.memory_space<vmem_shared>>
      tpu.wait_dma2 semaphore(%run_scoped3A : memref<!tpu.dma_semaphore, #tpu.memory_space<semaphore_mem>>) src(%dma_wait3A_80 : memref<640x16xf32, #tpu.memory_space<vmem_shared>>) dst(%dma_wait3A_78 : memref<640x16xf32, #tpu.memory_space<hbm>>)
      tpu.yield
    }) : () -> ()
    return
  }
}

module attributes {stable_mosaic.version = 14 : i64} {
  func.func @_node_mm_body(%arg0: i32, %arg1: memref<1000x128xf32, #tpu.memory_space<vmem>>, %arg2: memref<128x128xf32, #tpu.memory_space<vmem>>, %arg3: memref<128x16xf32, #tpu.memory_space<vmem>>, %arg4: memref<1000x128xf32, #tpu.memory_space<vmem>>, %arg5: memref<1000x16xf32, #tpu.memory_space<vmem>>) attributes {dimension_semantics = [#tpu.dimension_semantics<arbitrary>], iteration_bounds = array<i64: 10>, scalar_prefetch = 0 : i64, scratch_operands = 0 : i64, tpu.core_type = #tpu.core_type<tc>, window_params = [{transform_indices = @transform_0, window_bounds = array<i64: 1000, 128>}, {pipeline_mode = #tpu.pipeline_mode<synchronous>, transform_indices = @transform_1, window_bounds = array<i64: 128, 128>}, {pipeline_mode = #tpu.pipeline_mode<synchronous>, transform_indices = @transform_2, window_bounds = array<i64: 128, 16>}, {transform_indices = @transform_3, window_bounds = array<i64: 1000, 128>}, {transform_indices = @transform_4, window_bounds = array<i64: 1000, 16>}]} {
    %get3A = arith.constant 0 : index
    %get3A_0 = arith.constant 0 : index
    %get3A_1 = vector.load %arg1[%get3A, %get3A_0] : memref<1000x128xf32, #tpu.memory_space<vmem>>, vector<1000x128xf32>
    %get3A_2 = arith.constant 0 : index
    %get3A_3 = arith.constant 0 : index
    %get3A_4 = vector.load %arg2[%get3A_2, %get3A_3] : memref<128x128xf32, #tpu.memory_space<vmem>>, vector<128x128xf32>
    %dot_general3A = arith.constant dense<0.000000e+00> : vector<1000x128xf32>
    %dot_general3A_5 = tpu.matmul %get3A_1, %get3A_4, %dot_general3A {dimension_numbers = #tpu.dot_dimension_numbers<[1], [0], [0], [1], [0, 0, 1, 1], [], []>, transpose_lhs_hint = false} : vector<1000x128xf32>, vector<128x128xf32>, vector<1000x128xf32> -> vector<1000x128xf32>
    %swap3A = arith.constant 0 : index
    %swap3A_6 = arith.constant 0 : index
    %swap3A_7 = vector.load %arg4[%swap3A, %swap3A_6] : memref<1000x128xf32, #tpu.memory_space<vmem>>, vector<1000x128xf32>
    tpu.vector_store %arg4[%swap3A, %swap3A_6], %dot_general3A_5 {strides = array<i32>} : memref<1000x128xf32, #tpu.memory_space<vmem>>, vector<1000x128xf32>,
    %get3A_8 = arith.constant 0 : index
    %get3A_9 = arith.constant 0 : index
    %get3A_10 = vector.load %arg3[%get3A_8, %get3A_9] : memref<128x16xf32, #tpu.memory_space<vmem>>, vector<128x16xf32>
    %dot_general3A_11 = arith.constant dense<0.000000e+00> : vector<1000x16xf32>
    %dot_general3A_12 = tpu.matmul %dot_general3A_5, %get3A_10, %dot_general3A_11 {dimension_numbers = #tpu.dot_dimension_numbers<[1], [0], [0], [1], [0, 0, 1, 1], [], []>, transpose_lhs_hint = false} : vector<1000x128xf32>, vector<128x16xf32>, vector<1000x16xf32> -> vector<1000x16xf32>
    %swap3A_13 = arith.constant 0 : index
    %swap3A_14 = arith.constant 0 : index
    %swap3A_15 = vector.load %arg5[%swap3A_13, %swap3A_14] : memref<1000x16xf32, #tpu.memory_space<vmem>>, vector<1000x16xf32>
    tpu.vector_store %arg5[%swap3A_13, %swap3A_14], %dot_general3A_12 {strides = array<i32>} : memref<1000x16xf32, #tpu.memory_space<vmem>>, vector<1000x16xf32>,
    return
  }
  func.func @transform_0(%arg0: i32) -> (i32, i32) {
    %c0_i32 = arith.constant 0 : i32
    %c0_i32_0 = arith.constant 0 : i32
    return %arg0, %c0_i32 : i32, i32
  }
  func.func @transform_1(%arg0: i32) -> (i32, i32) {
    %c0_i32 = arith.constant 0 : i32
    %c0_i32_0 = arith.constant 0 : i32
    %c0_i32_1 = arith.constant 0 : i32
    return %c0_i32, %c0_i32_0 : i32, i32
  }
  func.func @transform_2(%arg0: i32) -> (i32, i32) {
    %c0_i32 = arith.constant 0 : i32
    %c0_i32_0 = arith.constant 0 : i32
    %c0_i32_1 = arith.constant 0 : i32
    return %c0_i32, %c0_i32_0 : i32, i32
  }
  func.func @transform_3(%arg0: i32) -> (i32, i32) {
    %c0_i32 = arith.constant 0 : i32
    %c0_i32_0 = arith.constant 0 : i32
    return %arg0, %c0_i32 : i32, i32
  }
  func.func @transform_4(%arg0: i32) -> (i32, i32) {
    %c0_i32 = arith.constant 0 : i32
    %c0_i32_0 = arith.constant 0 : i32
    return %arg0, %c0_i32 : i32, i32
  }
}

module attributes {stable_mosaic.version = 14 : i64} {
  func.func @_finalize_body(%arg0: i32, %arg1: memref<2x1000x128xf32, #tpu.memory_space<vmem>>, %arg2: memref<2x1000x16xf32, #tpu.memory_space<vmem>>, %arg3: memref<16x128xf32, #tpu.memory_space<vmem>>, %arg4: memref<1000x128xf32, #tpu.memory_space<vmem>>) attributes {dimension_semantics = [#tpu.dimension_semantics<arbitrary>], iteration_bounds = array<i64: 10>, scalar_prefetch = 0 : i64, scratch_operands = 0 : i64, tpu.core_type = #tpu.core_type<tc>, window_params = [{transform_indices = @transform_0, window_bounds = array<i64: 2, 1000, 128>}, {transform_indices = @transform_1, window_bounds = array<i64: 2, 1000, 16>}, {pipeline_mode = #tpu.pipeline_mode<synchronous>, transform_indices = @transform_2, window_bounds = array<i64: 16, 128>}, {transform_indices = @transform_3, window_bounds = array<i64: 1000, 128>}]} {
    %get3A = arith.constant 0 : index
    %get3A_0 = arith.constant 0 : index
    %get3A_1 = arith.constant 0 : index
    %get3A_2 = vector.load %arg1[%get3A, %get3A_0, %get3A_1] : memref<2x1000x128xf32, #tpu.memory_space<vmem>>, vector<1x1000x128xf32>
    %get3A_3 = vector.shape_cast %get3A_2 : vector<1x1000x128xf32> to vector<1000x128xf32>
    %get3A_4 = arith.constant 1 : index
    %get3A_5 = arith.constant 0 : index
    %get3A_6 = arith.constant 0 : index
    %get3A_7 = vector.load %arg1[%get3A_4, %get3A_5, %get3A_6] : memref<2x1000x128xf32, #tpu.memory_space<vmem>>, vector<1x1000x128xf32>
    %get3A_8 = vector.shape_cast %get3A_7 : vector<1x1000x128xf32> to vector<1000x128xf32>
    %add3A = arith.addf %get3A_3, %get3A_8 : vector<1000x128xf32>
    %get3A_9 = arith.constant 0 : index
    %get3A_10 = arith.constant 0 : index
    %get3A_11 = arith.constant 0 : index
    %get3A_12 = vector.load %arg2[%get3A_9, %get3A_10, %get3A_11] : memref<2x1000x16xf32, #tpu.memory_space<vmem>>, vector<1x1000x16xf32>
    %get3A_13 = vector.shape_cast %get3A_12 : vector<1x1000x16xf32> to vector<1000x16xf32>
    %get3A_14 = arith.constant 1 : index
    %get3A_15 = arith.constant 0 : index
    %get3A_16 = arith.constant 0 : index
    %get3A_17 = vector.load %arg2[%get3A_14, %get3A_15, %get3A_16] : memref<2x1000x16xf32, #tpu.memory_space<vmem>>, vector<1x1000x16xf32>
    %get3A_18 = vector.shape_cast %get3A_17 : vector<1x1000x16xf32> to vector<1000x16xf32>
    %add3A_19 = arith.addf %get3A_13, %get3A_18 : vector<1000x16xf32>
    %get3A_20 = arith.constant 0 : index
    %get3A_21 = arith.constant 0 : index
    %get3A_22 = vector.load %arg3[%get3A_20, %get3A_21] : memref<16x128xf32, #tpu.memory_space<vmem>>, vector<16x128xf32>
    %dot_general3A = arith.constant dense<0.000000e+00> : vector<1000x128xf32>
    %dot_general3A_23 = tpu.matmul %add3A_19, %get3A_22, %dot_general3A {dimension_numbers = #tpu.dot_dimension_numbers<[1], [0], [0], [1], [0, 0, 1, 1], [], []>, transpose_lhs_hint = false} : vector<1000x16xf32>, vector<16x128xf32>, vector<1000x128xf32> -> vector<1000x128xf32>
    %add3A_24 = arith.constant 9.99999971E-10 : f32
    %add3A_25 = vector.broadcast %add3A_24 : f32 to vector<1000x128xf32>
    %add3A_26 = arith.addf %dot_general3A_23, %add3A_25 : vector<1000x128xf32>
    %div3A = arith.divf %add3A, %add3A_26 : vector<1000x128xf32>
    %gt3A = arith.constant 0.000000e+00 : f32
    %gt3A_27 = vector.broadcast %gt3A : f32 to vector<1000x128xf32>
    %gt3A_28 = arith.cmpf ogt, %div3A, %gt3A_27 : vector<1000x128xf32>
    %min3A = arith.constant 0.000000e+00 : f32
    %min3A_29 = vector.broadcast %min3A : f32 to vector<1000x128xf32>
    %min3A_30 = arith.minimumf %div3A, %min3A_29 : vector<1000x128xf32>
    %exp3A = math.exp %min3A_30 : vector<1000x128xf32>
    %sub3A = arith.constant 1.000000e+00 : f32
    %sub3A_31 = vector.broadcast %sub3A : f32 to vector<1000x128xf32>
    %sub3A_32 = arith.subf %exp3A, %sub3A_31 : vector<1000x128xf32>
    %select_n3A = arith.select %gt3A_28, %div3A, %sub3A_32 : vector<1000x128xi1>, vector<1000x128xf32>
    %swap3A = arith.constant 0 : index
    %swap3A_33 = arith.constant 0 : index
    %swap3A_34 = vector.load %arg4[%swap3A, %swap3A_33] : memref<1000x128xf32, #tpu.memory_space<vmem>>, vector<1000x128xf32>
    tpu.vector_store %arg4[%swap3A, %swap3A_33], %select_n3A {strides = array<i32>} : memref<1000x128xf32, #tpu.memory_space<vmem>>, vector<1000x128xf32>,
    return
  }
  func.func @transform_0(%arg0: i32) -> (i32, i32, i32) {
    %c0_i32 = arith.constant 0 : i32
    %c0_i32_0 = arith.constant 0 : i32
    %c0_i32_1 = arith.constant 0 : i32
    return %c0_i32, %arg0, %c0_i32_0 : i32, i32, i32
  }
  func.func @transform_1(%arg0: i32) -> (i32, i32, i32) {
    %c0_i32 = arith.constant 0 : i32
    %c0_i32_0 = arith.constant 0 : i32
    %c0_i32_1 = arith.constant 0 : i32
    return %c0_i32, %arg0, %c0_i32_0 : i32, i32, i32
  }
  func.func @transform_2(%arg0: i32) -> (i32, i32) {
    %c0_i32 = arith.constant 0 : i32
    %c0_i32_0 = arith.constant 0 : i32
    %c0_i32_1 = arith.constant 0 : i32
    return %c0_i32, %c0_i32_0 : i32, i32
  }
  func.func @transform_3(%arg0: i32) -> (i32, i32) {
    %c0_i32 = arith.constant 0 : i32
    %c0_i32_0 = arith.constant 0 : i32
    return %arg0, %c0_i32 : i32, i32
  }
}

</mosaic_0001>

<sc_bundles>
// kernel: kernel.5.cloned.1.call-start
scs
__scs_entry_jumppad:
0x0: {  	(pc) =	sbr.rel $0x88, $3  }
0x1: {  	(tag) =	ssettag $0x0;
	lr =	simm.s32 $0x1  }
0x2: {  	[smem:$0x3F9C] =	sst lr;
	_ =	strace $0xD0000000  }
0x3: {  	_ = 	snop  }
0x4: {  	_ = 	snop  }
0x5: {  	_ = 	snop  }
0x6: {  	_ = 	snop  }
0x7: {  	_ = 	snop  }
__scs_overlays_trampoline_lowered:
0x8: {  	[smem:$0x3FAB] =	sst s0  }
0x9: {  	[smem:$0x3FAC] =	sst s1  }
0xa: {  	[smem:$0x3FAD] =	sst s2  }
0xb: {  	[smem:$0x3FAE] =	sst s3  }
0xc: {  	[smem:$0x3FAF] =	sst s4  }
0xd: {  	[smem:$0x3FB0] =	sst s5  }
0xe: {  	[smem:$0x3FB1] =	sst s6  }
0xf: {  	[smem:$0x3FB2] =	sst s7  }
0x10: {  	[smem:$0x3FB3] =	sst s8  }
0x11: {  	[smem:$0x3FB4] =	sst s9;
	s0 =	simm.s32 @!p0 $0x0  }
0x12: {  	s1 =	sld [smem:$0x3F9A];
	s0 =	simm.s32 @p0 $0x1  }
0x13: {  	[smem:$0x3FB5] =	sst s0;
	s0 =	simm.s32 @!p1 $0x0  }
0x14: {  	s2 =	sld [smem:$0x3F99];
	s0 =	simm.s32 @p1 $0x1  }
0x15: {  	[smem:$0x3FB6] =	sst s0;
	s0 =	simm.s32 @!p2 $0x0  }
0x16: {  	s3 =	sld [smem:$0x3FDB];
	s0 =	simm.s32 @p2 $0x1  }
0x17: {  	s4 =	simm.s32 $0x1BF5;
	[smem:$0x3FB8] =	sst s0  }
0x18: {  	s0 =	sld [smem:$0x3F9B];
	_ =	swait.ge [sflag:s4], $0x0  }
0x19: {  	s7 =	sld [smem:$0x3F9C]  }
0x1a: {  	s8 =	sadd.s32 $0xFFFFE003, lr  }
0x1b: {  	s9 =	sadd.s32 $0xFFFFFEF7, lr;
	s5 =	simm.s32 $0xFFFFFFFF;
	p2 =	slt.u32 s8, $0xFFFFF086  }
0x1c: {  	p1 =	slt.u32 s9, $0xF7A;
	s5 =	simm.s32 @!p2 $0x0  }
0x1d: {  	s5 =	simm.s32 @p1 $0x1;
	p0 =	seq.s32 s7, s2  }
0x1e: {  	s7 =	smul.u32 @!p0 $0xF7A, s2;
	p2 =	seq.s32 @!p0 s5, $0x0  }
0x1f: {  	s9 =	smul.u32 $0xF7A, s1;
	s8 =	simm.s32 @!p0 $0x1BF5;
	p2 =	por !p2, p0  }
0x20: {  	[sflag:s8] =	ssyncset.s32 @!p0 $0xFFFFF086;
	s6 =	sadd.s32 @!p0 s3, s7;
	s7 =	simm.s32 @!p0 $0x108  }
0x21: {  	s3 =	sadd.s32 s3, s9;
	s6 =	sadd.s32 @!p0 $0x88, s6;
	s7 =	simm.s32 @p2 $0x1082  }
0x22: {  	[simem:s7], [sflag:s8] =	dma.local @!p0 [hbm:s6], $0xF7A  }
0x23: {  	s9 =	sor.u32 $0xD0000000, s2;
	s6 =	simm.s32 $0x108;
	_ =	swait.ge @!p0 [sflag:s8], $0x0  }
0x24: {  	s3 =	sadd.s32 $0x88, s3;
	s6 =	simm.s32 @!p1 $0x1082;
	[sflag:s4] =	ssyncset.s32 $0xFFFFF086  }
0x25: {  	[simem:s6], [sflag:s4] =	dma.local [hbm:s3], $0xF7A  }
0x26: {  	[smem:$0x3F9C] =	sst s1;
	(tag) =	ssettag s2;
	_ =	strace s9  }
0x27: {  	s1 =	sld [smem:$0x3FAC]  }
0x28: {  	s2 =	sld [smem:$0x3FAD]  }
0x29: {  	s4 =	sld [smem:$0x3FAF]  }
0x2a: {  	p0 =	seq.s32 s5, $0x0;
	s5 =	sld [smem:$0x3FB0]  }
0x2b: {  	s6 =	sld [smem:$0x3FB1]  }
0x2c: {  	s7 =	sld [smem:$0x3FB2]  }
0x2d: {  	s3 =	simm.s32 $0x108;
	s8 =	sld [smem:$0x3FB3]  }
0x2e: {  	s3 =	simm.s32 @!p0 $0x1082;
	s9 =	sld [smem:$0x3FB4]  }
0x2f: {  	lr =	sadd.s32 s0, s3;
	s0 =	sld [smem:$0x3FAB]  }
0x30: {  	s3 =	sld [smem:$0x3FAE]  }
0x31: {  	[smem:$0x3FB7] =	sst s10  }
0x32: {  	s10 =	sld [smem:$0x3FB5];
	_ =	sdelay $0x3  }
0x33: {  	p0 =	seq.s32 s10, $0x1;
	s10 =	sld [smem:$0x3FB7];
	_ =	sdelay $0x3  }
0x34: {  	[smem:$0x3FB7] =	sst s10  }
0x35: {  	s10 =	sld [smem:$0x3FB6];
	_ =	sdelay $0x3  }
0x36: {  	p1 =	seq.s32 s10, $0x1;
	s10 =	sld [smem:$0x3FB7];
	_ =	sdelay $0x3  }
0x37: {  	[smem:$0x3FB7] =	sst s10  }
0x38: {  	s10 =	sld [smem:$0x3FB8]  }
0x39: {  	_ = 	snop;
	(pc) =	sbr.ind lr, $3  }
0x3a: {  	_ = 	snop  }
0x3b: {  	_ = 	snop  }
0x3c: {  	p2 =	seq.s32 s10, $0x1;
	s10 =	sld [smem:$0x3FB7]  }
0x3d: {  	_ =	shalt  }
0x3e: {  	_ =	shalt  }
0x3f: {  	_ =	shalt  }
0x40: {  	_ =	shalt  }
0x41: {  	_ =	shalt  }
0x42: {  	_ =	shalt  }
0x43: {  	_ =	shalt  }
0x44: {  	_ =	shalt  }
0x45: {  	_ =	shalt  }
0x46: {  	_ =	shalt  }
0x47: {  	_ =	shalt  }
0x48: {  	_ =	shalt  }
0x49: {  	_ =	shalt  }
0x4a: {  	_ =	shalt  }
0x4b: {  	_ =	shalt  }
0x4c: {  	_ =	shalt  }
0x4d: {  	_ =	shalt  }
0x4e: {  	_ =	shalt  }
0x4f: {  	_ =	shalt  }
0x50: {  	_ =	shalt  }
0x51: {  	_ =	shalt  }
0x52: {  	_ =	shalt  }
0x53: {  	_ =	shalt  }
0x54: {  	_ =	shalt  }
0x55: {  	_ =	shalt  }
0x56: {  	_ =	shalt  }
0x57: {  	_ =	shalt  }
0x58: {  	_ =	shalt  }
0x59: {  	_ =	shalt  }
0x5a: {  	_ =	shalt  }
0x5b: {  	_ =	shalt  }
0x5c: {  	_ =	shalt  }
0x5d: {  	_ =	shalt  }
0x5e: {  	_ =	shalt  }
0x5f: {  	_ =	shalt  }
0x60: {  	_ =	shalt  }
0x61: {  	_ =	shalt  }
0x62: {  	_ =	shalt  }
0x63: {  	_ =	shalt  }
0x64: {  	_ =	shalt  }
0x65: {  	_ =	shalt  }
0x66: {  	_ =	shalt  }
0x67: {  	_ =	shalt  }
0x68: {  	_ =	shalt  }
0x69: {  	_ =	shalt  }
0x6a: {  	_ =	shalt  }
0x6b: {  	_ =	shalt  }
0x6c: {  	_ =	shalt  }
0x6d: {  	_ =	shalt  }
0x6e: {  	_ =	shalt  }
0x6f: {  	_ =	shalt  }
0x70: {  	_ =	shalt  }
0x71: {  	_ =	shalt  }
0x72: {  	_ =	shalt  }
0x73: {  	_ =	shalt  }
0x74: {  	_ =	shalt  }
0x75: {  	_ =	shalt  }
0x76: {  	_ =	shalt  }
0x77: {  	_ =	shalt  }
0x78: {  	_ =	shalt  }
0x79: {  	_ =	shalt  }
0x7a: {  	_ =	shalt  }
0x7b: {  	_ =	shalt  }
0x7c: {  	_ =	shalt  }
0x7d: {  	_ =	shalt  }
0x7e: {  	_ =	shalt  }
0x7f: {  	_ =	shalt  }
0x80: {  	_ =	shalt  }
0x81: {  	_ =	shalt  }
0x82: {  	_ =	shalt  }
0x83: {  	_ =	shalt  }
0x84: {  	_ =	shalt  }
0x85: {  	_ =	shalt  }
0x86: {  	_ =	shalt  }
0x87: {  	_ =	shalt  }
.Lfunc_end0:
.L_simem_size_0:
called_computation_lowered:
.L_overlay_start_0:
0x88: {  	s2 =	sld [smem:$0x3FD9]  }
0x89: {  	s3 =	sld [smem:$0x3FFE];
	_ =	sdelay $0x1  }
0x8a: {  	s1 =	srdreg.scid  }
0x8b: {  	s0 =	sand.u32 $0x1, s1  }
0x8c: {  	s17 =	sshll.u32 s0, $0xA;
	s2 =	sadd.s32 s3, s2  }
0x8d: {  	s2 =	sadd.s32 s2, s17  }
0x8e: {  	[smem:$0x3FC3] =	sst s2  }
0x8f: {  	_ = 	snop  }
0x90: {  	s2 =	sld [smem:$0x3FD0];
	(tm) =	ssettm $0x1  }
0x91: {  	s18 =	sld [smem:$0x3FFB];
	_ =	sdelay $0x3  }
0x92: {  	_ =	strace s18  }
0x93: {  	s3 =	sld [smem:$0x3FFC];
	_ =	sdelay $0x3  }
0x94: {  	_ =	strace s3  }
0x95: {  	s3 =	sld [smem:$0x3FFD];
	_ =	sdelay $0x3  }
0x96: {  	_ =	strace s3  }
0x97: {  	_ =	strace $0x8FFFFFFF  }
0x98: {  	s19 =	sld [smem:$0x3FDB];
	_ =	sdelay $0x1  }
0x99: {  	s4 =	simm.s32 $_scs_section_size  }
0x9a: {  	s5 =	simm.s32 $_size__tile_overlayer_lowered;
	s6 =	simm.s32 $_tile_overlayer_lowered  }
0x9b: {  	s22 =	simm.s32 $0x1BFF;
	s21 =	sshll.u32 s6, $0x1;
	s3 =	sadd.s32 s4, s19  }
0x9c: {  	s7 =	simm.s32 $0x0;
	s20 =	sshll.u32 s5, $0x1;
	s5 =	sadd.s32 s21, s3  }
0x9d: {  	[timem:s7], [sflag:s22] =	dma.local [hbm:s5], s20  }
0x9e: {  	_ =	swait.ge [sflag:s22], s20  }
0x9f: {  	s4 =	ssub.s32 $0x0, s20;
	[sflag:s22] =	ssyncset.done $0x0  }
0xa0: {  	[sflag:s22] =	ssyncadd.s32 s4;
	_ =	sdelay $0x1  }
0xa1: {  	s23 =	simm.s32 $0x1B8B  }
0xa2: {  	_ =	swait.ge [sflag:s23], $0x1  }
0xa3: {  	[sflag:s23] =	ssyncset.done $0x0  }
0xa4: {  	s25 =	simm.s32 $0x1B8E;
	s24 =	sld [smem:$0x3FFE];
	[sflag:s23] =	ssyncadd.s32 $0xFFFFFFFF  }
0xa5: {  	s26 =	simm.s32 $execute0_lowered;
	[smem:$0x3FD2] =	sst s25  }
0xa6: {  	s5 =	sshll.u32 s26, $0x1;
	_ =	strace $0x80000046;
	[dreg:$0x1] =	wrdreg $0xFFFFFFFF  }
0xa7: {  	s28 =	simm.s32 $_size_execute0_lowered;
	s3 =	sadd.s32 s3, s5;
	[dreg:$0x0] =	wrdreg $0x0  }
0xa8: {  	s5 =	sshll.u32 s28, $0x1;
	[dreg:$0x2] =	wrdreg s3  }
0xa9: {  	[dreg:$0x3] =	wrdreg s5  }
0xaa: {  	[dreg:$0x4] =	wrdreg $0xC0  }
0xab: {  	_ =	task [dreg:s7], $0x5FFFF  }
0xac: {  	[dreg:$0x1] =	wrdreg $0xFFFFFFFF  }
0xad: {  	[dreg:$0x0] =	wrdreg $0x60  }
0xae: {  	[dreg:$0x2] =	wrdreg s2  }
0xaf: {  	[dreg:$0x3] =	wrdreg s24  }
0xb0: {  	[dreg:$0x4] =	wrdreg $0x6F400  }
0xb1: {  	[dreg:$0x5] =	wrdreg $0x1AF400  }
0xb2: {  	[dreg:$0x6] =	wrdreg $0x9  }
0xb3: {  	_ =	task.clear_ibuf [dreg:s7], $0x7FFFF;
	_ =	strace $0x90000046  }
0xb4: {  	s29 =	simm.s32 $0x9;
	_ =	strace $0x80000048  }
0xb5: {  	_ =	swait.ge [sflag:s29], $0x1  }
0xb6: {  	[sflag:s29] =	ssyncadd.s32 $0xFFFFFFFF  }
0xb7: {  	_ =	strace $0x90000048  }
0xb8: {  	_ =	sfence  }
0xb9: {  	s30 =	sld [smem:$0x0];
	_ =	sdelay $0x2  }
0xba: {  	s31 =	sshll.u32 s1, $0xD;
	s1 =	sshrl.u32 s1, $0x2  }
0xbb: {  	s3 =	sand.u32 $0x4000, s31;
	s1 =	sadd.s32 s1, s30  }
0xbc: {  	s0 =	sor.u32 s3, s0;
	s1 =	sshll.u32 s1, $0x11  }
0xbd: {  	s0 =	sor.u32 s1, s0  }
0xbe: {  	s0 =	sadd.s32 $0x8F2B, s0  }
0xbf: {  	[sflag:s0] =	ssyncadd.remote.s32 $0x1  }
0xc0: {  	_ =	sfence.sel $0xFFFF  }
0xc1: {  	[dreg:$0x0] =	wrdreg $0xFFFFFFFF;
	(pc) =	sbr.abs _section_cstart, $3  }
0xc2: {  	[dreg:$0x1] =	wrdreg $0xFFFFFFFF  }
0xc3: {  	_ =	task.clear_ibuf [dreg:s7], $0x2FFFF;
	_ =	strace $0x9FFFFFFF  }
0xc4: {  	(tm) =	ssettm $0x7FFFFFFF  }
0xc5: {  	_ =	shalt  }
tec
execute0_lowered:
.L_overlay_start_1:
0x0: {  	(tag) =	ssettag $0x1  }
0x1: {  	s1 =	rddreg [dreg:$0x0]  }
0x2: {  	s0 =	rddreg [dreg:$0x1]  }
0x3: {  	s3 =	rddreg [dreg:$0x2];
	s15 =	stileid.u32  }
0x4: {  	s2 =	srdreg.scid;
	s9 =	smul.u32 $0x14000, s15  }
0x5: {  	s4 =	rddreg [dreg:$0x3];
	s5 =	simm.s32 $0x0;
	s10 =	smul.u32 $0x2800, s15  }
0x6: {  	s2 =	sand.u32 $0x1, s2;
	[smem:$0x7FF] =	sst s5;
	s14 =	smul.u32 $0x280, s15  }
0x7: {  	s7 =	sadd.s32 $0xAA00, s0;
	s6 =	smul.u32 $0x140000, s2;
	_ =	strace $0x80000047  }
0x8: {  	s11 =	smul.u32 $0x28000, s2;
	s13 =	ssub.s32 $0x2, s2;
	s2 =	sshll.u32 s2, $0x4  }
0x9: {  	s17 =	sshrl.u32 s13, $0x1;
	s2 =	sor.u32 s15, s2;
	s18 =	sor.u32 $0x50, s14  }
0xa: {  	s24 =	sadd.s32 s9, s3;
	s25 =	sadd.s32 s10, s4;
	s21 =	sadd.s32 $0xA0, s14  }
0xb: {  	s26 =	sadd.s32 $0xF0, s14;
	s31 =	sadd.s32 $0x140, s14;
	s15 =	sadd.s32 $0x190, s14  }
0xc: {  	s8 =	sadd.s32 s9, s6;
	s6 =	sadd.s32 $0x14800, s0;
	s11 =	sadd.s32 s10, s11  }
0xd: {  	s19 =	sshll.u32 s18, $0x7;
	s20 =	sshll.u32 s18, $0x4;
	s22 =	sshll.u32 s21, $0x7  }
0xe: {  	s10 =	sshll.u32 s21, $0x4;
	s30 =	sshll.u32 s26, $0x7;
	s16 =	sshll.u32 s15, $0x7  }
0xf: {  	s18 =	sadd.s32 $0x1E0, s14;
	s2 =	smul.u32 $0x2710, s2;
	[dreg:$0x5] =	wrdreg s24  }
0x10: {  	[dreg:$0x6] =	wrdreg s25;
	s12 =	sshrl.u32 s8, $0x3;
	s8 =	sadd.s32 $0xC00, s0  }
0x11: {  	s11 =	sshrl.u32 s11, $0x3;
	s9 =	sadd.s32 s19, s3;
	s23 =	sadd.s32 s10, s4  }
0x12: {  	s10 =	sadd.s32 s30, s3;
	s19 =	sshll.u32 s18, $0x7;
	[dreg:$0x7] =	wrdreg s9  }
0x13: {  	s12 =	sadd.s32 s12, s0;
	s0 =	sadd.s32 s11, s0;
	[dreg:$0xa] =	wrdreg s23  }
0x14: {  	s11 =	ssub.s32 s13, s17;
	s9 =	sadd.s32 s20, s4;
	[dreg:$0xb] =	wrdreg s10  }
0x15: {  	s10 =	sshll.u32 s31, $0x7;
	s13 =	sshll.u32 s31, $0x4;
	s20 =	sadd.s32 $0x230, s14  }
0x16: {  	s28 =	sadd.s32 $0x50, s2;
	s29 =	sadd.s32 $0xA0, s2;
	s14 =	simm.s32 $0x28A0  }
0x17: {  	[dreg:$0x8] =	wrdreg s9;
	s9 =	sadd.s32 s22, s3;
	s21 =	sshll.u32 s20, $0x7  }
0x18: {  	s22 =	sshrl.u32 s2, $0x3;
	s30 =	sadd.s32 $0x23800, s12;
	[dreg:$0x9] =	wrdreg s9  }
0x19: {  	s0 =	sadd.s32 $0x19800, s0;
	s31 =	smax.u32 s11, $0x1;
	[dreg:$0x17] =	wrdreg s30  }
0x1a: {  	s11 =	simm.s32 $0x3;
	s12 =	simm.s32 $0x32A0;
	[dreg:$0x18] =	wrdreg s0  }
0x1b: {  	s9 =	sshll.u32 s26, $0x4;
	s23 =	sadd.s32 s7, s22;
	[dreg:$0x19] =	wrdreg s31  }
0x1c: {  	s26 =	sadd.s32 s8, s22;
	s0 =	simm.s32 $0xA0;
	[dreg:$0x15] =	wrdreg s23  }
0x1d: {  	s22 =	simm.s32 $0x2;
	s9 =	sadd.s32 s9, s4;
	[dreg:$0x16] =	wrdreg s26  }
0x1e: {  	s23 =	simm.s32 $0x6A40;
	[dreg:$0xc] =	wrdreg s9;
	s9 =	sadd.s32 s10, s3  }
0x1f: {  	s10 =	sshll.u32 s15, $0x4;
	[dreg:$0xd] =	wrdreg s9;
	s9 =	sadd.s32 s13, s4  }
0x20: {  	s15 =	simm.s32 $0x2DA0;
	s17 =	sadd.s32 s10, s4;
	[dreg:$0xe] =	wrdreg s9  }
0x21: {  	s10 =	sadd.s32 s19, s3;
	s13 =	simm.s32 $0x50;
	[dreg:$0x10] =	wrdreg s17  }
0x22: {  	s19 =	simm.s32 $0x6040;
	s9 =	sadd.s32 s16, s3;
	[dreg:$0x11] =	wrdreg s10  }
0x23: {  	s10 =	sadd.s32 s21, s3;
	[dreg:$0xf] =	wrdreg s9;
	s9 =	sshll.u32 s18, $0x4  }
0x24: {  	s16 =	simm.s32 $0x37A0;
	s17 =	simm.s32 $0x37F0;
	s9 =	sadd.s32 s9, s4  }
0x25: {  	s21 =	simm.s32 $0x1;
	[dreg:$0x12] =	wrdreg s9;
	s9 =	sshll.u32 s20, $0x4  }
0x26: {  	v1 =	vlaneseq.u32;
	[dreg:$0x13] =	wrdreg s10;
	s18 =	simm.s32 $0x3840;
	s9 =	sadd.s32 s9, s4  }
0x27: {  	v0 =	vimm.f32 $0.0e+00;
	vm0 =	vmmov $0xf;
	v1 =	vor.u32 $0x8, v1;
	s20 =	simm.s32 $0x6540;
	[dreg:$0x14] =	wrdreg s9;
	s9 =	simm.s32 $0x0  }
.LBB2_1:
0x28: {  	s2 =	simm.s32 $0xE0  }
0x29: {  	[tilespmem:s2+$0xFFFFFFD0] =	vst v0  }
0x2a: {  	[tilespmem:s2+$0xFFFFFFE0] =	vst v0  }
0x2b: {  	[tilespmem:s2+$0xFFFFFFF0] =	vst v0  }
0x2c: {  	[tilespmem:s2+$0x0] =	vst v0  }
0x2d: {  	[tilespmem:s2+$0x10] =	vst v0  }
0x2e: {  	[tilespmem:s2+$0x20] =	vst v0  }
0x2f: {  	[tilespmem:s2+$0x30] =	vst v0  }
0x30: {  	[dreg:$0x1a] =	wrdreg s9;
	s10 =	simm.s32 $0x0;
	s9 =	simm.s32 $0x40;
	[tilespmem:s2+$0xFFFFFFC0] =	vst v0  }
.LBB2_2:
0x31: {  	p0 =	sne.s32 s9, $0x13C0;
	[tilespmem:s10+$0x32A0] =	vst v0;
	s2 =	sadd.s32 $0x80, s2  }
0x32: {  	[tilespmem:s2+$0xFFFFFFD0] =	vst v0  }
0x33: {  	[tilespmem:s2+$0xFFFFFFE0] =	vst v0  }
0x34: {  	[tilespmem:s2+$0xFFFFFFF0] =	vst v0  }
.Ltmp0:
0x35: {  	[tilespmem:s2+$0x0] =	vst v0;
	(pc) =	sbr.rel @p0 .LBB2_2-.Ltmp0, $4  }
0x36: {  	[tilespmem:s2+$0x10] =	vst v0  }
0x37: {  	[tilespmem:s2+$0x20] =	vst v0  }
0x38: {  	[tilespmem:s2+$0x30] =	vst v0  }
0x39: {  	s10 =	sshra.s32 s9, $0x2;
	s9 =	sadd.s32 $0x40, s9;
	[tilespmem:s2+$0xFFFFFFC0] =	vst v0  }
0x3a: {  	[tilespmem:s10+$0x32A0] =	vst v0  }
0x3b: {  	[spmem:s24] =	stream.linear.scatter [tilespmem:s0], [sflag:$0x3], $0x2800, $0x38;
	[tilespmem:$0x1D740] =	vst v63  }
0x3c: {  	_ =	swait.ge [sflag:s11], $0x2800  }
0x3d: {  	[sflag:s11] =	ssyncset.done $0x0  }
0x3e: {  	[sflag:s11] =	ssyncadd.s32 $0xFFFFD800  }
0x3f: {  	[spmem:s25] =	stream.linear.scatter [tilespmem:s12], [sflag:$0x3], $0x500, $0x38;
	[tilespmem:$0x1D740] =	vst v63  }
0x40: {  	_ =	swait.ge [sflag:s11], $0x500  }
0x41: {  	[sflag:s11] =	ssyncset.done $0x0  }
0x42: {  	s2 =	rddreg [dreg:$0x7];
	[sflag:s11] =	ssyncadd.s32 $0xFFFFFB00  }
0x43: {  	[spmem:s2] =	stream.linear.scatter [tilespmem:s0], [sflag:$0x3], $0x2800, $0x38;
	[tilespmem:$0x1D740] =	vst v63  }
0x44: {  	_ =	swait.ge [sflag:s11], $0x2800  }
0x45: {  	[sflag:s11] =	ssyncset.done $0x0  }
0x46: {  	s31 =	rddreg [dreg:$0x8];
	[sflag:s11] =	ssyncadd.s32 $0xFFFFD800  }
0x47: {  	[spmem:s31] =	stream.linear.scatter [tilespmem:s12], [sflag:$0x3], $0x500, $0x38;
	[tilespmem:$0x1D740] =	vst v63  }
0x48: {  	_ =	swait.ge [sflag:s11], $0x500  }
0x49: {  	[sflag:s11] =	ssyncset.done $0x0  }
0x4a: {  	s9 =	rddreg [dreg:$0x9];
	[sflag:s11] =	ssyncadd.s32 $0xFFFFFB00  }
0x4b: {  	[spmem:s9] =	stream.linear.scatter [tilespmem:s0], [sflag:$0x3], $0x2800, $0x38;
	[tilespmem:$0x1D740] =	vst v63  }
0x4c: {  	_ =	swait.ge [sflag:s11], $0x2800  }
0x4d: {  	[sflag:s11] =	ssyncset.done $0x0  }
0x4e: {  	s10 =	rddreg [dreg:$0xa];
	[sflag:s11] =	ssyncadd.s32 $0xFFFFD800  }
0x4f: {  	[spmem:s10] =	stream.linear.scatter [tilespmem:s12], [sflag:$0x3], $0x500, $0x38;
	[tilespmem:$0x1D740] =	vst v63  }
0x50: {  	_ =	swait.ge [sflag:s11], $0x500  }
0x51: {  	[sflag:s11] =	ssyncset.done $0x0  }
0x52: {  	s24 =	rddreg [dreg:$0xb];
	[sflag:s11] =	ssyncadd.s32 $0xFFFFFB00  }
0x53: {  	[spmem:s24] =	stream.linear.scatter [tilespmem:s0], [sflag:$0x3], $0x2800, $0x38;
	[tilespmem:$0x1D740] =	vst v63  }
0x54: {  	_ =	swait.ge [sflag:s11], $0x2800  }
0x55: {  	[sflag:s11] =	ssyncset.done $0x0  }
0x56: {  	s25 =	rddreg [dreg:$0xc];
	[sflag:s11] =	ssyncadd.s32 $0xFFFFD800  }
0x57: {  	[spmem:s25] =	stream.linear.scatter [tilespmem:s12], [sflag:$0x3], $0x500, $0x38;
	[tilespmem:$0x1D740] =	vst v63  }
0x58: {  	_ =	swait.ge [sflag:s11], $0x500  }
0x59: {  	[sflag:s11] =	ssyncset.done $0x0  }
0x5a: {  	s26 =	rddreg [dreg:$0xd];
	[sflag:s11] =	ssyncadd.s32 $0xFFFFFB00  }
0x5b: {  	[spmem:s26] =	stream.linear.scatter [tilespmem:s0], [sflag:$0x3], $0x2800, $0x38;
	[tilespmem:$0x1D740] =	vst v63  }
0x5c: {  	_ =	swait.ge [sflag:s11], $0x2800  }
0x5d: {  	[sflag:s11] =	ssyncset.done $0x0  }
0x5e: {  	s30 =	rddreg [dreg:$0xe];
	[sflag:s11] =	ssyncadd.s32 $0xFFFFD800  }
0x5f: {  	[spmem:s30] =	stream.linear.scatter [tilespmem:s12], [sflag:$0x3], $0x500, $0x38;
	[tilespmem:$0x1D740] =	vst v63  }
0x60: {  	_ =	swait.ge [sflag:s11], $0x500  }
0x61: {  	[sflag:s11] =	ssyncset.done $0x0  }
0x62: {  	s31 =	rddreg [dreg:$0xf];
	[sflag:s11] =	ssyncadd.s32 $0xFFFFFB00  }
0x63: {  	[spmem:s31] =	stream.linear.scatter [tilespmem:s0], [sflag:$0x3], $0x2800, $0x38;
	[tilespmem:$0x1D740] =	vst v63  }
0x64: {  	_ =	swait.ge [sflag:s11], $0x2800  }
0x65: {  	[sflag:s11] =	ssyncset.done $0x0  }
0x66: {  	s9 =	rddreg [dreg:$0x10];
	[sflag:s11] =	ssyncadd.s32 $0xFFFFD800  }
0x67: {  	[spmem:s9] =	stream.linear.scatter [tilespmem:s12], [sflag:$0x3], $0x500, $0x38;
	[tilespmem:$0x1D740] =	vst v63  }
0x68: {  	_ =	swait.ge [sflag:s11], $0x500  }
0x69: {  	[sflag:s11] =	ssyncset.done $0x0  }
0x6a: {  	s10 =	rddreg [dreg:$0x11];
	[sflag:s11] =	ssyncadd.s32 $0xFFFFFB00  }
0x6b: {  	[spmem:s10] =	stream.linear.scatter [tilespmem:s0], [sflag:$0x3], $0x2800, $0x38;
	[tilespmem:$0x1D740] =	vst v63  }
0x6c: {  	_ =	swait.ge [sflag:s11], $0x2800  }
0x6d: {  	[sflag:s11] =	ssyncset.done $0x0  }
0x6e: {  	s24 =	rddreg [dreg:$0x12];
	[sflag:s11] =	ssyncadd.s32 $0xFFFFD800  }
0x6f: {  	[spmem:s24] =	stream.linear.scatter [tilespmem:s12], [sflag:$0x3], $0x500, $0x38;
	[tilespmem:$0x1D740] =	vst v63  }
0x70: {  	_ =	swait.ge [sflag:s11], $0x500  }
0x71: {  	[sflag:s11] =	ssyncset.done $0x0  }
0x72: {  	s25 =	rddreg [dreg:$0x13];
	[sflag:s11] =	ssyncadd.s32 $0xFFFFFB00  }
0x73: {  	[spmem:s25] =	stream.linear.scatter [tilespmem:s0], [sflag:$0x3], $0x2800, $0x38;
	[tilespmem:$0x1D740] =	vst v63  }
0x74: {  	_ =	swait.ge [sflag:s11], $0x2800  }
0x75: {  	[sflag:s11] =	ssyncset.done $0x0  }
0x76: {  	s26 =	rddreg [dreg:$0x14];
	[sflag:s11] =	ssyncadd.s32 $0xFFFFD800  }
0x77: {  	[spmem:s26] =	stream.linear.scatter [tilespmem:s12], [sflag:$0x3], $0x500, $0x38;
	[tilespmem:$0x1D740] =	vst v63  }
0x78: {  	_ =	swait.ge [sflag:s11], $0x500  }
0x79: {  	[sflag:s11] =	ssyncset.done $0x0  }
0x7a: {  	[sflag:s11] =	ssyncadd.s32 $0xFFFFFB00  }
0x7b: {  	[bflag:$0x0] =	sbarrier.arrive $0xFFFF  }
0x7c: {  	s25 =	simm.s32 $0x0;
	s30 =	rddreg [dreg:$0x15]  }
0x7d: {  	[tilespmem:s25], [sflag:$0x3] =	stream.linear.gather [hbm4b:s30+s25], $0x50, $0x38;
	[tilespmem:$0x1D740] =	vst v63  }
0x7e: {  	_ =	swait.ge [sflag:s11], $0x50  }
0x7f: {  	[sflag:s11] =	ssyncset.done $0x0  }
0x80: {  	s31 =	rddreg [dreg:$0x16];
	[sflag:s11] =	ssyncadd.s32 $0xFFFFFFB0  }
0x81: {  	[tilespmem:s13], [sflag:$0x3] =	stream.linear.gather [hbm4b:s31+s25], $0x50, $0x38;
	[tilespmem:$0x1D740] =	vst v63  }
0x82: {  	_ =	swait.ge [sflag:s11], $0x50  }
0x83: {  	[sflag:s11] =	ssyncset.done $0x0  }
0x84: {  	[sflag:s11] =	ssyncadd.s32 $0xFFFFFFB0  }
0x85: {  	[tilespmem:s0], [sflag:$0x1] =	stream.indirect.gather [hbm4b:s1+s13], $0x80, s25, s13, $0xb8;
	[tilespmem:$0x1D740] =	vst v63  }
0x86: {  	_ = 	snop  }
0x87: {  	[tilespmem:s14], [sflag:$0x1] =	stream.indirect.gather [hbm4b:s6+s13], $0x10, s25, s13, $0xb8;
	[tilespmem:$0x1D740] =	vst v63  }
0x88: {  	_ = 	snop  }
0x89: {  	[tilespmem:s15], [sflag:$0x1] =	stream.indirect.gather [hbm4b:s6+s13], $0x10, s13, s13, $0xb8;
	[tilespmem:$0x1D740] =	vst v63  }
.LBB2_4:
0x8a: {  	s26 =	smul.u32 $0xA0, s25;
	_ =	sdelay $0x1  }
0x8b: {  	s2 =	sadd.s32 s26, s28  }
0x8c: {  	s2 =	sshrl.u32 s2, $0x3  }
0x8d: {  	s9 =	sadd.s32 s7, s2  }
0x8e: {  	[tilespmem:s16], [sflag:$0x3] =	stream.linear.gather [hbm4b:s9+s5], $0x50, $0x38;
	[tilespmem:$0x1D740] =	vst v63  }
0x8f: {  	_ =	swait.ge [sflag:s11], $0x50  }
0x90: {  	[sflag:s11] =	ssyncset.done $0x0  }
0x91: {  	s2 =	sadd.s32 s8, s2;
	[sflag:s11] =	ssyncadd.s32 $0xFFFFFFB0  }
0x92: {  	[tilespmem:s17], [sflag:$0x3] =	stream.linear.gather [hbm4b:s2+s5], $0x50, $0x38;
	[tilespmem:$0x1D740] =	vst v63  }
0x93: {  	_ =	swait.ge [sflag:s11], $0x50  }
0x94: {  	[sflag:s11] =	ssyncset.done $0x0  }
0x95: {  	[sflag:s11] =	ssyncadd.s32 $0xFFFFFFB0  }
0x96: {  	[tilespmem:s18], [sflag:$0x2] =	stream.indirect.gather [hbm4b:s1+s13], $0x80, s16, s13, $0xb8;
	[tilespmem:$0x1D740] =	vst v63  }
0x97: {  	_ = 	snop  }
0x98: {  	[tilespmem:s19], [sflag:$0x2] =	stream.indirect.gather [hbm4b:s6+s13], $0x10, s16, s13, $0xb8;
	[tilespmem:$0x1D740] =	vst v63  }
0x99: {  	_ = 	snop  }
0x9a: {  	[tilespmem:s20], [sflag:$0x2] =	stream.indirect.gather [hbm4b:s6+s13], $0x10, s17, s13, $0xb8;
	[tilespmem:$0x1D740] =	vst v63  }
0x9b: {  	_ =	swait.ge [sflag:s21], $0x2800  }
0x9c: {  	[sflag:s21] =	ssyncset.done $0x0  }
0x9d: {  	[sflag:s21] =	ssyncadd.s32 $0xFFFFD800  }
0x9e: {  	_ =	swait.ge [sflag:s21], $0x500  }
0x9f: {  	[sflag:s21] =	ssyncset.done $0x0  }
0xa0: {  	[sflag:s21] =	ssyncadd.s32 $0xFFFFFB00  }
0xa1: {  	_ =	swait.ge [sflag:s21], $0x500  }
0xa2: {  	[sflag:s21] =	ssyncset.done $0x0  }
0xa3: {  	s10 =	simm.s32 $0x2DB0;
	[sflag:s21] =	ssyncadd.s32 $0xFFFFFB00  }
0xa4: {  	v2 =	vld [tilespmem:s10+$0x0]  }
0xa5: {  	s24 =	simm.s32 $0x28B0;
	v3 =	vld [tilespmem:s10+$0xFFFFFFF0]  }
0xa6: {  	v4 =	vld [tilespmem:s24+$0x0]  }
0xa7: {  	v5 =	vld [tilespmem:s24+$0xFFFFFFF0];
	_ =	sdelay $0x1  }
0xa8: {  	v2 =	vperm.xlane v2, v1  }
0xa9: {  	s10 =	simm.s32 $0x2DD0;
	v3 =	vperm.xlane v3, v1  }
0xaa: {  	v2 =	vadd.f32 v2, v4;
	v4 =	vld [tilespmem:s10+$0x0]  }
0xab: {  	s24 =	simm.s32 $0x28D0;
	v3 =	vadd.f32 v3, v5;
	v5 =	vld [tilespmem:s10+$0xFFFFFFF0]  }
0xac: {  	v7 =	vld [tilespmem:s24+$0x0];
	v6 =	vmul.f32 $2.000000030e-01, v2  }
0xad: {  	v9 =	vld [tilespmem:s24+$0xFFFFFFF0];
	s10 =	simm.s32 $0x2DF0;
	v8 =	vmul.f32 $2.000000030e-01, v3  }
0xae: {  	s24 =	simm.s32 $0x28F0;
	v2 =	vmax.f32 v2, v6;
	v6 =	vld [tilespmem:s10+$0x0]  }
0xaf: {  	v10 =	vld [tilespmem:s24+$0x0];
	v3 =	vmax.f32 v3, v8;
	v2 =	vmul.f32 $1.442695020e+00, v2;
	v4 =	vperm.xlane v4, v1  }
0xb0: {  	v8 =	vld [tilespmem:s10+$0xFFFFFFF0];
	v3 =	vmul.f32 $1.442695020e+00, v3;
	v5 =	vperm.xlane v5, v1  }
0xb1: {  	(erf) = vpow2.f32 v2;
	v2 =	vadd.f32 v4, v7  }
0xb2: {  	v4 =	vld [tilespmem:s24+$0xFFFFFFF0];
	(erf) = vpow2.f32 v3;
	v3 =	vadd.f32 v5, v9  }
0xb3: {  	v5 =	vmul.f32 $2.000000030e-01, v2;
	v6 =	vperm.xlane v6, v1  }
0xb4: {  	v7 =	vmul.f32 $2.000000030e-01, v3  }
0xb5: {  	s10 =	simm.s32 $0x2E10;
	v8 =	vperm.xlane v8, v1;
	v2 =	vmax.f32 v2, v5;
	v5 =	vadd.f32 v6, v10  }
0xb6: {  	v9 =	vld [tilespmem:s10+$0x0];
	v3 =	vmax.f32 v3, v7  }
0xb7: {  	v11 =	vld [tilespmem:s10+$0xFFFFFFF0];
	s24 =	simm.s32 $0x2910;
	v2 =	vmul.f32 $1.442695020e+00, v2;
	v6 =	vadd.f32 v8, v4;
	v8 =	vmul.f32 $2.000000030e-01, v5  }
0xb8: {  	v12 =	vld [tilespmem:s24+$0x0];
	v7 =	vmul.f32 $1.442695020e+00, v3  }
0xb9: {  	(erf) = vpow2.f32 v2;
	v8 =	vmax.f32 v5, v8  }
0xba: {  	s2 =	simm.s32 $0x2930;
	v4 =	vld [tilespmem:s24+$0xFFFFFFF0];
	v10 =	vmul.f32 $2.000000030e-01, v6;
	(erf) = vpow2.f32 v7  }
0xbb: {  	s9 =	simm.s32 $0x2E30;
	v3 =	vld [tilespmem:s2+$0x0];
	v7 =	vperm.xlane v9, v1;
	v2 =	vpop (erf)  }
0xbc: {  	s30 =	simm.s32 $0x32B0;
	v11 =	vperm.xlane v11, v1;
	v5 =	vld [tilespmem:s9+$0x0];
	v9 =	vmax.f32 v6, v10;
	v10 =	vmul.f32 $1.442695020e+00, v8;
	v8 =	vpop (erf)  }
0xbd: {  	s31 =	simm.s32 $0x32B0;
	s10 =	simm.s32 $0x8;
	s24 =	simm.s32 $0x2950;
	v6 =	vld [tilespmem:s9+$0xFFFFFFF0];
	v7 =	vadd.f32 v7, v12;
	v9 =	vmul.f32 $1.442695020e+00, v9;
	v8 =	vnsel vm0, $0x0, v8  }
.LBB2_5:
0xbe: {  	s10 =	sadd.s32 $0x2, s10  }
0xbf: {  	v12 =	vld [tilespmem:s24+$0x0];
	v13 =	vadd.f32 v11, v4;
	(erf) = vpow2.f32 v10;
	[tilespmem:s30+$0xFFFFFFF0] =	vst v8;
	v2 =	vnsel vm0, $0x0, v2;
	s31 =	sadd.s32 $0x20, s31;
	p0 =	slt.u32 s10, $0x4E  }
.Ltmp1:
0xc0: {  	v4 =	vld [tilespmem:s2+$0xFFFFFFF0];
	v8 =	vmul.f32 $2.000000030e-01, v7;
	(erf) = vpow2.f32 v9;
	[tilespmem:s30+$0x0] =	vst v2;
	s30 =	smov.u32 s31;
	(pc) =	sbr.rel @p0 .LBB2_5-.Ltmp1, $4  }
0xc1: {  	s2 =	smov.u32 s24;
	v9 =	vmul.f32 $2.000000030e-01, v13  }
0xc2: {  	s9 =	sadd.s32 $0x20, s9;
	v14 =	vperm.xlane v5, v1;
	v7 =	vmax.f32 v7, v8;
	v2 =	vpop (erf)  }
0xc3: {  	v5 =	vld [tilespmem:s9+$0x0];
	v11 =	vperm.xlane v6, v1;
	v8 =	vmax.f32 v13, v9;
	v10 =	vmul.f32 $1.442695020e+00, v7;
	v13 =	vpop (erf)  }
0xc4: {  	s24 =	sadd.s32 $0x20, s24;
	v6 =	vld [tilespmem:s9+$0xFFFFFFF0];
	v7 =	vadd.f32 v14, v3;
	v9 =	vmul.f32 $1.442695020e+00, v8;
	v8 =	vnsel vm0, $0x0, v13;
	v3 =	vmovc v12  }
0xc5: {  	_ = 	snop  }
0xc6: {  	v12 =	vld [tilespmem:s2+$0xFFFFFFF0];
	_ =	sdelay $0x1  }
0xc7: {  	v5 =	vperm.xlane v5, v1  }
0xc8: {  	v4 =	vadd.f32 v11, v4;
	v6 =	vperm.xlane v6, v1  }
0xc9: {  	v11 =	vmul.f32 $2.000000030e-01, v7;
	v3 =	vadd.f32 v5, v3  }
0xca: {  	v5 =	vmul.f32 $2.000000030e-01, v4;
	v6 =	vadd.f32 v6, v12  }
0xcb: {  	(erf) = vpow2.f32 v10;
	v7 =	vmax.f32 v7, v11;
	v10 =	vmul.f32 $2.000000030e-01, v3  }
0xcc: {  	v4 =	vmax.f32 v4, v5;
	v5 =	vmul.f32 $1.442695020e+00, v7;
	v7 =	vmul.f32 $2.000000030e-01, v6  }
0xcd: {  	(erf) = vpow2.f32 v9;
	v4 =	vmul.f32 $1.442695020e+00, v4;
	v3 =	vmax.f32 v3, v10  }
0xce: {  	(erf) = vpow2.f32 v5;
	v5 =	vmax.f32 v6, v7;
	v3 =	vmul.f32 $1.442695020e+00, v3  }
0xcf: {  	(erf) = vpow2.f32 v4;
	v4 =	vmul.f32 $1.442695020e+00, v5  }
0xd0: {  	(erf) = vpow2.f32 v3  }
0xd1: {  	(erf) = vpow2.f32 v4;
	_ =	sdelay $0x1  }
0xd2: {  	v3 =	vpop (erf)  }
0xd3: {  	[tilespmem:s30+$0xFFFFFFF0] =	vst v8;
	v2 =	vnsel vm0, $0x0, v2;
	v4 =	vpop (erf)  }
0xd4: {  	s31 =	sadd.s32 $0x20, s31;
	[tilespmem:s30+$0x0] =	vst v2;
	v5 =	vpop (erf);
	v2 =	vnsel vm0, $0x0, v4  }
0xd5: {  	v4 =	vpop (erf);
	[tilespmem:s31+$0xFFFFFFF0] =	vst v2;
	v2 =	vnsel vm0, $0x0, v3  }
0xd6: {  	s9 =	sadd.s32 $0x20, s31;
	[tilespmem:s31+$0x0] =	vst v2;
	v2 =	vnsel vm0, $0x0, v4;
	v3 =	vpop (erf)  }
0xd7: {  	[tilespmem:s9+$0xFFFFFFF0] =	vst v2;
	v2 =	vnsel vm0, $0x0, v5;
	v4 =	vpop (erf)  }
0xd8: {  	s10 =	sadd.s32 $0x20, s9;
	[tilespmem:s9+$0x0] =	vst v2;
	v2 =	vnsel vm0, $0x0, v4;
	v4 =	vpop (erf)  }
0xd9: {  	[tilespmem:s10+$0xFFFFFFF0] =	vst v2;
	v2 =	vnsel vm0, $0x0, v3;
	v3 =	vpop (erf)  }
0xda: {  	s24 =	sadd.s32 $0x20, s10;
	[tilespmem:s10+$0x0] =	vst v2;
	v2 =	vnsel vm0, $0x0, v3  }
0xdb: {  	[tilespmem:s24+$0xFFFFFFF0] =	vst v2;
	v2 =	vnsel vm0, $0x0, v4  }
0xdc: {  	[tilespmem:s24+$0x0] =	vst v2  }
0xdd: {  	[spmem:s3] =	stream.indirect.scatter.add.f32 [tilespmem:s0], [sflag:$0x3], $0x80, s13, s13, $0xb8;
	[tilespmem:$0x1D740] =	vst v63  }
0xde: {  	_ =	swait.ge [sflag:s11], $0x2800  }
0xdf: {  	[sflag:s11] =	ssyncset.done $0x0  }
0xe0: {  	[sflag:s11] =	ssyncadd.s32 $0xFFFFD800  }
0xe1: {  	[spmem:s4] =	stream.indirect.scatter.add.f32 [tilespmem:s12], [sflag:$0x3], $0x10, s13, s13, $0xb8;
	[tilespmem:$0x1D740] =	vst v63  }
0xe2: {  	s26 =	sadd.s32 s26, s29;
	_ =	swait.ge [sflag:s11], $0x500  }
0xe3: {  	s2 =	sshrl.u32 s26, $0x3;
	[sflag:s11] =	ssyncset.done $0x0  }
0xe4: {  	s31 =	sadd.s32 s7, s2;
	[sflag:s11] =	ssyncadd.s32 $0xFFFFFB00  }
0xe5: {  	[tilespmem:s5], [sflag:$0x3] =	stream.linear.gather [hbm4b:s31+s5], $0x50, $0x38;
	[tilespmem:$0x1D740] =	vst v63  }
0xe6: {  	_ =	swait.ge [sflag:s11], $0x50  }
0xe7: {  	[sflag:s11] =	ssyncset.done $0x0  }
0xe8: {  	s2 =	sadd.s32 s8, s2;
	[sflag:s11] =	ssyncadd.s32 $0xFFFFFFB0  }
0xe9: {  	[tilespmem:s13], [sflag:$0x3] =	stream.linear.gather [hbm4b:s2+s5], $0x50, $0x38;
	[tilespmem:$0x1D740] =	vst v63  }
0xea: {  	_ =	swait.ge [sflag:s11], $0x50  }
0xeb: {  	[sflag:s11] =	ssyncset.done $0x0  }
0xec: {  	[sflag:s11] =	ssyncadd.s32 $0xFFFFFFB0  }
0xed: {  	[tilespmem:s0], [sflag:$0x1] =	stream.indirect.gather [hbm4b:s1+s13], $0x80, s5, s13, $0xb8;
	[tilespmem:$0x1D740] =	vst v63  }
0xee: {  	_ = 	snop  }
0xef: {  	[tilespmem:s14], [sflag:$0x1] =	stream.indirect.gather [hbm4b:s6+s13], $0x10, s5, s13, $0xb8;
	[tilespmem:$0x1D740] =	vst v63  }
0xf0: {  	_ = 	snop  }
0xf1: {  	[tilespmem:s15], [sflag:$0x1] =	stream.indirect.gather [hbm4b:s6+s13], $0x10, s13, s13, $0xb8;
	[tilespmem:$0x1D740] =	vst v63  }
0xf2: {  	_ =	swait.ge [sflag:s22], $0x2800  }
0xf3: {  	[sflag:s22] =	ssyncset.done $0x0  }
0xf4: {  	[sflag:s22] =	ssyncadd.s32 $0xFFFFD800  }
0xf5: {  	_ =	swait.ge [sflag:s22], $0x500  }
0xf6: {  	[sflag:s22] =	ssyncset.done $0x0  }
0xf7: {  	[sflag:s22] =	ssyncadd.s32 $0xFFFFFB00  }
0xf8: {  	_ =	swait.ge [sflag:s22], $0x500  }
0xf9: {  	[sflag:s22] =	ssyncset.done $0x0  }
0xfa: {  	s10 =	simm.s32 $0x6550;
	[sflag:s22] =	ssyncadd.s32 $0xFFFFFB00  }
0xfb: {  	v2 =	vld [tilespmem:s10+$0x0]  }
0xfc: {  	s24 =	simm.s32 $0x6050;
	v3 =	vld [tilespmem:s10+$0xFFFFFFF0]  }
0xfd: {  	v4 =	vld [tilespmem:s24+$0x0]  }
0xfe: {  	v5 =	vld [tilespmem:s24+$0xFFFFFFF0];
	_ =	sdelay $0x1  }
0xff: {  	v2 =	vperm.xlane v2, v1  }
0x100: {  	s26 =	simm.s32 $0x6570;
	v3 =	vperm.xlane v3, v1  }
0x101: {  	v2 =	vadd.f32 v2, v4;
	v4 =	vld [tilespmem:s26+$0x0]  }
0x102: {  	s31 =	simm.s32 $0x6070;
	v3 =	vadd.f32 v3, v5;
	v5 =	vld [tilespmem:s26+$0xFFFFFFF0]  }
0x103: {  	v7 =	vld [tilespmem:s31+$0x0];
	v6 =	vmul.f32 $2.000000030e-01, v2  }
0x104: {  	v9 =	vld [tilespmem:s31+$0xFFFFFFF0];
	s10 =	simm.s32 $0x6590;
	v8 =	vmul.f32 $2.000000030e-01, v3  }
0x105: {  	s24 =	simm.s32 $0x6090;
	v2 =	vmax.f32 v2, v6;
	v6 =	vld [tilespmem:s10+$0x0]  }
0x106: {  	v10 =	vld [tilespmem:s24+$0x0];
	v3 =	vmax.f32 v3, v8;
	v2 =	vmul.f32 $1.442695020e+00, v2;
	v4 =	vperm.xlane v4, v1  }
0x107: {  	v8 =	vld [tilespmem:s10+$0xFFFFFFF0];
	v3 =	vmul.f32 $1.442695020e+00, v3;
	v5 =	vperm.xlane v5, v1  }
0x108: {  	(erf) = vpow2.f32 v2;
	v2 =	vadd.f32 v4, v7  }
0x109: {  	v4 =	vld [tilespmem:s24+$0xFFFFFFF0];
	(erf) = vpow2.f32 v3;
	v3 =	vadd.f32 v5, v9  }
0x10a: {  	v5 =	vmul.f32 $2.000000030e-01, v2;
	v6 =	vperm.xlane v6, v1  }
0x10b: {  	v7 =	vmul.f32 $2.000000030e-01, v3  }
0x10c: {  	s26 =	simm.s32 $0x65B0;
	v8 =	vperm.xlane v8, v1;
	v2 =	vmax.f32 v2, v5;
	v5 =	vadd.f32 v6, v10  }
0x10d: {  	v9 =	vld [tilespmem:s26+$0x0];
	v3 =	vmax.f32 v3, v7  }
0x10e: {  	s31 =	simm.s32 $0x60B0;
	v11 =	vld [tilespmem:s26+$0xFFFFFFF0];
	v2 =	vmul.f32 $1.442695020e+00, v2;
	v6 =	vadd.f32 v8, v4;
	v8 =	vmul.f32 $2.000000030e-01, v5  }
0x10f: {  	v63 =	vld [tilespmem:s31+$0x0];
	v7 =	vmul.f32 $1.442695020e+00, v3  }
0x110: {  	(erf) = vpow2.f32 v2;
	v8 =	vmax.f32 v5, v8  }
0x111: {  	s2 =	simm.s32 $0x60D0;
	v4 =	vld [tilespmem:s31+$0xFFFFFFF0];
	v10 =	vmul.f32 $2.000000030e-01, v6;
	(erf) = vpow2.f32 v7  }
0x112: {  	s9 =	simm.s32 $0x65D0;
	v3 =	vld [tilespmem:s2+$0x0];
	v7 =	vperm.xlane v9, v1;
	v2 =	vpop (erf)  }
0x113: {  	s30 =	simm.s32 $0x6A50;
	v11 =	vperm.xlane v11, v1;
	v5 =	vld [tilespmem:s9+$0x0];
	v9 =	vmax.f32 v6, v10;
	v10 =	vmul.f32 $1.442695020e+00, v8;
	v8 =	vpop (erf)  }
0x114: {  	s10 =	simm.s32 $0x8;
	s24 =	simm.s32 $0x60F0;
	s26 =	simm.s32 $0x6A50;
	v6 =	vld [tilespmem:s9+$0xFFFFFFF0];
	v7 =	vadd.f32 v7, v63;
	v9 =	vmul.f32 $1.442695020e+00, v9;
	v8 =	vnsel vm0, $0x0, v8  }
.LBB2_7:
0x115: {  	s10 =	sadd.s32 $0x2, s10  }
0x116: {  	v12 =	vld [tilespmem:s24+$0x0];
	v13 =	vadd.f32 v11, v4;
	(erf) = vpow2.f32 v10;
	[tilespmem:s26+$0xFFFFFFF0] =	vst v8;
	v2 =	vnsel vm0, $0x0, v2;
	s30 =	sadd.s32 $0x20, s30;
	p0 =	slt.u32 s10, $0x4E  }
.Ltmp2:
0x117: {  	v4 =	vld [tilespmem:s2+$0xFFFFFFF0];
	v8 =	vmul.f32 $2.000000030e-01, v7;
	(erf) = vpow2.f32 v9;
	[tilespmem:s26+$0x0] =	vst v2;
	s26 =	smov.u32 s30;
	(pc) =	sbr.rel @p0 .LBB2_7-.Ltmp2, $4  }
0x118: {  	s2 =	smov.u32 s24;
	v9 =	vmul.f32 $2.000000030e-01, v13  }
0x119: {  	s9 =	sadd.s32 $0x20, s9;
	v14 =	vperm.xlane v5, v1;
	v7 =	vmax.f32 v7, v8;
	v2 =	vpop (erf)  }
0x11a: {  	v5 =	vld [tilespmem:s9+$0x0];
	v11 =	vperm.xlane v6, v1;
	v8 =	vmax.f32 v13, v9;
	v10 =	vmul.f32 $1.442695020e+00, v7;
	v13 =	vpop (erf)  }
0x11b: {  	s24 =	sadd.s32 $0x20, s24;
	v6 =	vld [tilespmem:s9+$0xFFFFFFF0];
	v7 =	vadd.f32 v14, v3;
	v9 =	vmul.f32 $1.442695020e+00, v8;
	v8 =	vnsel vm0, $0x0, v13;
	v3 =	vmovc v12  }
0x11c: {  	_ = 	snop  }
0x11d: {  	v12 =	vld [tilespmem:s2+$0xFFFFFFF0];
	_ =	sdelay $0x1  }
0x11e: {  	v5 =	vperm.xlane v5, v1  }
0x11f: {  	v4 =	vadd.f32 v11, v4;
	v6 =	vperm.xlane v6, v1  }
0x120: {  	v54 =	vmul.f32 $2.000000030e-01, v7;
	v3 =	vadd.f32 v5, v3  }
0x121: {  	v11 =	vmul.f32 $2.000000030e-01, v4;
	v6 =	vadd.f32 v6, v12  }
0x122: {  	(erf) = vpow2.f32 v10;
	v5 =	vmax.f32 v7, v54;
	v55 =	vmul.f32 $2.000000030e-01, v3  }
0x123: {  	v4 =	vmax.f32 v4, v11;
	v5 =	vmul.f32 $1.442695020e+00, v5;
	v56 =	vmul.f32 $2.000000030e-01, v6  }
0x124: {  	(erf) = vpow2.f32 v9;
	v4 =	vmul.f32 $1.442695020e+00, v4;
	v3 =	vmax.f32 v3, v55  }
0x125: {  	(erf) = vpow2.f32 v5;
	v57 =	vmax.f32 v6, v56;
	v3 =	vmul.f32 $1.442695020e+00, v3  }
0x126: {  	(erf) = vpow2.f32 v4;
	v58 =	vmul.f32 $1.442695020e+00, v57  }
0x127: {  	(erf) = vpow2.f32 v3  }
0x128: {  	(erf) = vpow2.f32 v58;
	_ =	sdelay $0x1  }
0x129: {  	v3 =	vpop (erf)  }
0x12a: {  	[tilespmem:s26+$0xFFFFFFF0] =	vst v8;
	v2 =	vnsel vm0, $0x0, v2;
	v59 =	vpop (erf)  }
0x12b: {  	s24 =	sadd.s32 $0x20, s30;
	[tilespmem:s26+$0x0] =	vst v2;
	v60 =	vpop (erf);
	v2 =	vnsel vm0, $0x0, v59  }
0x12c: {  	v61 =	vpop (erf);
	[tilespmem:s24+$0xFFFFFFF0] =	vst v2;
	v2 =	vnsel vm0, $0x0, v3  }
0x12d: {  	s9 =	sadd.s32 $0x20, s24;
	[tilespmem:s24+$0x0] =	vst v2;
	v2 =	vnsel vm0, $0x0, v61;
	v3 =	vpop (erf)  }
0x12e: {  	[tilespmem:s9+$0xFFFFFFF0] =	vst v2;
	v2 =	vnsel vm0, $0x0, v60;
	v62 =	vpop (erf)  }
0x12f: {  	s30 =	sadd.s32 $0x20, s9;
	[tilespmem:s9+$0x0] =	vst v2;
	v2 =	vnsel vm0, $0x0, v62;
	v63 =	vpop (erf)  }
0x130: {  	[tilespmem:s30+$0xFFFFFFF0] =	vst v2;
	v2 =	vnsel vm0, $0x0, v3;
	v3 =	vpop (erf)  }
0x131: {  	s31 =	sadd.s32 $0x20, s30;
	[tilespmem:s30+$0x0] =	vst v2;
	v2 =	vnsel vm0, $0x0, v3  }
0x132: {  	[tilespmem:s31+$0xFFFFFFF0] =	vst v2;
	v2 =	vnsel vm0, $0x0, v63  }
0x133: {  	[tilespmem:s31+$0x0] =	vst v2  }
0x134: {  	[spmem:s3] =	stream.indirect.scatter.add.f32 [tilespmem:s18], [sflag:$0x3], $0x80, s17, s13, $0xb8;
	[tilespmem:$0x1D740] =	vst v63  }
0x135: {  	s25 =	sadd.s32 $0x1, s25;
	_ =	swait.ge [sflag:s11], $0x2800  }
0x136: {  	p0 =	sne.s32 s25, $0x3E;
	[sflag:s11] =	ssyncset.done $0x0  }
.Ltmp3:
0x137: {  	[sflag:s11] =	ssyncadd.s32 $0xFFFFD800;
	(pc) =	sbr.rel @p0 .LBB2_4-.Ltmp3, $4  }
0x138: {  	[spmem:s4] =	stream.indirect.scatter.add.f32 [tilespmem:s23], [sflag:$0x3], $0x10, s17, s13, $0xb8;
	[tilespmem:$0x1D740] =	vst v63  }
0x139: {  	_ =	swait.ge [sflag:s11], $0x500  }
0x13a: {  	[sflag:s11] =	ssyncset.done $0x0  }
0x13b: {  	[sflag:s11] =	ssyncadd.s32 $0xFFFFFB00  }
0x13c: {  	_ =	swait.ge [sflag:s21], $0x2800  }
0x13d: {  	[sflag:s21] =	ssyncset.done $0x0  }
0x13e: {  	[sflag:s21] =	ssyncadd.s32 $0xFFFFD800  }
0x13f: {  	_ =	swait.ge [sflag:s21], $0x500  }
0x140: {  	[sflag:s21] =	ssyncset.done $0x0  }
0x141: {  	[sflag:s21] =	ssyncadd.s32 $0xFFFFFB00  }
0x142: {  	_ =	swait.ge [sflag:s21], $0x500  }
0x143: {  	[sflag:s21] =	ssyncset.done $0x0  }
0x144: {  	s2 =	simm.s32 $0x2DB0;
	[sflag:s21] =	ssyncadd.s32 $0xFFFFFB00  }
0x145: {  	v2 =	vld [tilespmem:s2+$0x0]  }
0x146: {  	s9 =	simm.s32 $0x28B0;
	v3 =	vld [tilespmem:s2+$0xFFFFFFF0]  }
0x147: {  	v4 =	vld [tilespmem:s9+$0x0]  }
0x148: {  	v5 =	vld [tilespmem:s9+$0xFFFFFFF0];
	_ =	sdelay $0x1  }
0x149: {  	v2 =	vperm.xlane v2, v1  }
0x14a: {  	s10 =	simm.s32 $0x2DD0;
	v3 =	vperm.xlane v3, v1  }
0x14b: {  	v2 =	vadd.f32 v2, v4;
	v4 =	vld [tilespmem:s10+$0x0]  }
0x14c: {  	s24 =	simm.s32 $0x28D0;
	v3 =	vadd.f32 v3, v5;
	v5 =	vld [tilespmem:s10+$0xFFFFFFF0]  }
0x14d: {  	v7 =	vld [tilespmem:s24+$0x0];
	v6 =	vmul.f32 $2.000000030e-01, v2  }
0x14e: {  	s25 =	simm.s32 $0x2DF0;
	v9 =	vld [tilespmem:s24+$0xFFFFFFF0];
	v8 =	vmul.f32 $2.000000030e-01, v3  }
0x14f: {  	s26 =	simm.s32 $0x28F0;
	v2 =	vmax.f32 v2, v6;
	v6 =	vld [tilespmem:s25+$0x0]  }
0x150: {  	v10 =	vld [tilespmem:s26+$0x0];
	v3 =	vmax.f32 v3, v8;
	v2 =	vmul.f32 $1.442695020e+00, v2;
	v4 =	vperm.xlane v4, v1  }
0x151: {  	v8 =	vld [tilespmem:s25+$0xFFFFFFF0];
	v3 =	vmul.f32 $1.442695020e+00, v3;
	v5 =	vperm.xlane v5, v1  }
0x152: {  	(erf) = vpow2.f32 v2;
	v2 =	vadd.f32 v4, v7  }
0x153: {  	v4 =	vld [tilespmem:s26+$0xFFFFFFF0];
	(erf) = vpow2.f32 v3;
	v3 =	vadd.f32 v5, v9  }
0x154: {  	v5 =	vmul.f32 $2.000000030e-01, v2;
	v6 =	vperm.xlane v6, v1  }
0x155: {  	v7 =	vmul.f32 $2.000000030e-01, v3  }
0x156: {  	s30 =	simm.s32 $0x2E10;
	v8 =	vperm.xlane v8, v1;
	v2 =	vmax.f32 v2, v5;
	v5 =	vadd.f32 v6, v10  }
0x157: {  	v9 =	vld [tilespmem:s30+$0x0];
	v3 =	vmax.f32 v3, v7  }
0x158: {  	s31 =	simm.s32 $0x2910;
	v11 =	vld [tilespmem:s30+$0xFFFFFFF0];
	v2 =	vmul.f32 $1.442695020e+00, v2;
	v6 =	vadd.f32 v8, v4;
	v8 =	vmul.f32 $2.000000030e-01, v5  }
0x159: {  	v12 =	vld [tilespmem:s31+$0x0];
	v7 =	vmul.f32 $1.442695020e+00, v3  }
0x15a: {  	(erf) = vpow2.f32 v2;
	v8 =	vmax.f32 v5, v8  }
0x15b: {  	s2 =	simm.s32 $0x2930;
	v4 =	vld [tilespmem:s31+$0xFFFFFFF0];
	v10 =	vmul.f32 $2.000000030e-01, v6;
	(erf) = vpow2.f32 v7  }
0x15c: {  	s9 =	simm.s32 $0x2E30;
	v3 =	vld [tilespmem:s2+$0x0];
	v7 =	vperm.xlane v9, v1;
	v2 =	vpop (erf)  }
0x15d: {  	s24 =	simm.s32 $0x2950;
	v11 =	vperm.xlane v11, v1;
	v5 =	vld [tilespmem:s9+$0x0];
	v9 =	vmax.f32 v6, v10;
	v10 =	vmul.f32 $1.442695020e+00, v8;
	v8 =	vpop (erf)  }
0x15e: {  	s10 =	simm.s32 $0x8;
	s25 =	simm.s32 $0x32B0;
	s26 =	simm.s32 $0x32B0;
	v6 =	vld [tilespmem:s9+$0xFFFFFFF0];
	v7 =	vadd.f32 v7, v12;
	v9 =	vmul.f32 $1.442695020e+00, v9;
	v8 =	vnsel vm0, $0x0, v8  }
.LBB2_10:
0x15f: {  	s10 =	sadd.s32 $0x2, s10  }
0x160: {  	v12 =	vld [tilespmem:s24+$0x0];
	v13 =	vadd.f32 v11, v4;
	(erf) = vpow2.f32 v10;
	[tilespmem:s25+$0xFFFFFFF0] =	vst v8;
	v2 =	vnsel vm0, $0x0, v2;
	s26 =	sadd.s32 $0x20, s26;
	p0 =	slt.u32 s10, $0x4E  }
.Ltmp4:
0x161: {  	v4 =	vld [tilespmem:s2+$0xFFFFFFF0];
	v8 =	vmul.f32 $2.000000030e-01, v7;
	(erf) = vpow2.f32 v9;
	[tilespmem:s25+$0x0] =	vst v2;
	s25 =	smov.u32 s26;
	(pc) =	sbr.rel @p0 .LBB2_10-.Ltmp4, $4  }
0x162: {  	s2 =	smov.u32 s24;
	v9 =	vmul.f32 $2.000000030e-01, v13  }
0x163: {  	s9 =	sadd.s32 $0x20, s9;
	v14 =	vperm.xlane v5, v1;
	v7 =	vmax.f32 v7, v8;
	v2 =	vpop (erf)  }
0x164: {  	v5 =	vld [tilespmem:s9+$0x0];
	v11 =	vperm.xlane v6, v1;
	v8 =	vmax.f32 v13, v9;
	v10 =	vmul.f32 $1.442695020e+00, v7;
	v13 =	vpop (erf)  }
0x165: {  	s24 =	sadd.s32 $0x20, s24;
	v6 =	vld [tilespmem:s9+$0xFFFFFFF0];
	v7 =	vadd.f32 v14, v3;
	v9 =	vmul.f32 $1.442695020e+00, v8;
	v8 =	vnsel vm0, $0x0, v13;
	v3 =	vmovc v12  }
0x166: {  	_ = 	snop  }
0x167: {  	v12 =	vld [tilespmem:s2+$0xFFFFFFF0];
	_ =	sdelay $0x1  }
0x168: {  	v5 =	vperm.xlane v5, v1  }
0x169: {  	v4 =	vadd.f32 v11, v4;
	v6 =	vperm.xlane v6, v1  }
0x16a: {  	v54 =	vmul.f32 $2.000000030e-01, v7;
	v3 =	vadd.f32 v5, v3  }
0x16b: {  	v11 =	vmul.f32 $2.000000030e-01, v4;
	v6 =	vadd.f32 v6, v12  }
0x16c: {  	(erf) = vpow2.f32 v10;
	v5 =	vmax.f32 v7, v54;
	v55 =	vmul.f32 $2.000000030e-01, v3  }
0x16d: {  	v4 =	vmax.f32 v4, v11;
	v5 =	vmul.f32 $1.442695020e+00, v5;
	v56 =	vmul.f32 $2.000000030e-01, v6  }
0x16e: {  	(erf) = vpow2.f32 v9;
	v4 =	vmul.f32 $1.442695020e+00, v4;
	v3 =	vmax.f32 v3, v55  }
0x16f: {  	(erf) = vpow2.f32 v5;
	v57 =	vmax.f32 v6, v56;
	v3 =	vmul.f32 $1.442695020e+00, v3  }
0x170: {  	(erf) = vpow2.f32 v4;
	v58 =	vmul.f32 $1.442695020e+00, v57  }
0x171: {  	(erf) = vpow2.f32 v3  }
0x172: {  	(erf) = vpow2.f32 v58;
	_ =	sdelay $0x1  }
0x173: {  	v3 =	vpop (erf)  }
0x174: {  	[tilespmem:s25+$0xFFFFFFF0] =	vst v8;
	v2 =	vnsel vm0, $0x0, v2;
	v59 =	vpop (erf)  }
0x175: {  	s24 =	sadd.s32 $0x20, s26;
	[tilespmem:s25+$0x0] =	vst v2;
	v60 =	vpop (erf);
	v2 =	vnsel vm0, $0x0, v59  }
0x176: {  	v61 =	vpop (erf);
	[tilespmem:s24+$0xFFFFFFF0] =	vst v2;
	v2 =	vnsel vm0, $0x0, v3  }
0x177: {  	s9 =	sadd.s32 $0x20, s24;
	[tilespmem:s24+$0x0] =	vst v2;
	v2 =	vnsel vm0, $0x0, v61;
	v3 =	vpop (erf)  }
0x178: {  	[tilespmem:s9+$0xFFFFFFF0] =	vst v2;
	v2 =	vnsel vm0, $0x0, v60;
	v62 =	vpop (erf)  }
0x179: {  	s25 =	sadd.s32 $0x20, s9;
	[tilespmem:s9+$0x0] =	vst v2;
	v2 =	vnsel vm0, $0x0, v62;
	v63 =	vpop (erf)  }
0x17a: {  	[tilespmem:s25+$0xFFFFFFF0] =	vst v2;
	v2 =	vnsel vm0, $0x0, v3;
	v3 =	vpop (erf)  }
0x17b: {  	s26 =	sadd.s32 $0x20, s25;
	[tilespmem:s25+$0x0] =	vst v2;
	v2 =	vnsel vm0, $0x0, v3  }
0x17c: {  	[tilespmem:s26+$0xFFFFFFF0] =	vst v2;
	v2 =	vnsel vm0, $0x0, v63  }
0x17d: {  	[tilespmem:s26+$0x0] =	vst v2  }
0x17e: {  	[spmem:s3] =	stream.indirect.scatter.add.f32 [tilespmem:s0], [sflag:$0x3], $0x80, s13, s13, $0xb8;
	[tilespmem:$0x1D740] =	vst v63  }
0x17f: {  	_ =	swait.ge [sflag:s11], $0x2800  }
0x180: {  	[sflag:s11] =	ssyncset.done $0x0  }
0x181: {  	[sflag:s11] =	ssyncadd.s32 $0xFFFFD800  }
0x182: {  	[spmem:s4] =	stream.indirect.scatter.add.f32 [tilespmem:s12], [sflag:$0x3], $0x10, s13, s13, $0xb8;
	[tilespmem:$0x1D740] =	vst v63  }
0x183: {  	_ =	swait.ge [sflag:s11], $0x500  }
0x184: {  	[sflag:s11] =	ssyncset.done $0x0  }
0x185: {  	[sflag:s11] =	ssyncadd.s32 $0xFFFFFB00  }
0x186: {  	s30 =	stileid.u32;
	[bflag:$0x0] =	sbarrier.arrive $0xFFFF  }
0x187: {  	s2 =	sshll.u32 s30, $0x6;
	s24 =	rddreg [dreg:$0x5]  }
0x188: {  	s2 =	sor.u32 $0x1C03, s2;
	s10 =	rddreg [dreg:$0x17];
	s31 =	sshrl.u32 s24, $0x3  }
0x189: {  	[hbm:s10], [sflag:s2] =	dma.local [spmem:s31], $0x2800  }
0x18a: {  	_ =	swait.ge [sflag:s11], $0x2800  }
0x18b: {  	[sflag:s11] =	ssyncset.done $0x0;
	s25 =	rddreg [dreg:$0x6]  }
0x18c: {  	s26 =	rddreg [dreg:$0x18];
	[sflag:s11] =	ssyncadd.s32 $0xFFFFD800;
	s10 =	sshrl.u32 s25, $0x3  }
0x18d: {  	[hbm:s26], [sflag:s2] =	dma.local [spmem:s10], $0x500  }
0x18e: {  	_ =	swait.ge [sflag:s11], $0x500  }
0x18f: {  	s30 =	rddreg [dreg:$0x1a]  }
0x190: {  	s31 =	rddreg [dreg:$0x19];
	s9 =	sadd.s32 $0x1, s30  }
0x191: {  	p0 =	sne.s32 s9, s31  }
.Ltmp5:
0x192: {  	_ = 	snop;
	(pc) =	sbr.rel @p0 .LBB2_1-.Ltmp5, $3  }
0x193: {  	_ =	sdelay $0x1  }
0x194: {  	[sflag:s11] =	ssyncset.done $0x0  }
0x195: {  	[sflag:s11] =	ssyncadd.s32 $0xFFFFFB00  }
0x196: {  	_ =	sfence.sel $0x180000  }
0x197: {  	[bflag:$0x0] =	sbarrier.arrive $0xFFFF  }
0x198: {  	_ =	strace $0x90000047  }
0x199: {  	s0 =	stileid.u32;
	[bflag:$0x2] =	sbarrier.arrive $0xFFFF  }
0x19a: {  	p0 =	sne.s32 s0, $0x0;
	s0 =	rddreg [dreg:$0x4]  }
0x19b: {  	s0 =	sadd.s32 @!p0 $0x100000, s0  }
0x19c: {  	[sflag:s0] =	ssyncadd.tile.s32 @!p0 $0x1;
	_ =	shalt  }
.Lfunc_end2:
_tile_overlayer_lowered:
.L_overlay_start_2:
0x19d: {  	(tag) =	ssettag $0x2  }
0x19e: {  	s0 =	rddreg [dreg:$0x0];
	s2 =	stileid.u32  }
0x19f: {  	s1 =	rddreg [dreg:$0x1];
	p0 =	sne.s32 s2, $0x0  }
0x1a0: {  	s3 =	rddreg [dreg:$0x2];
	[bflag:$0x3] =	sbarrier.arrive $0xFFFF;
	s2 =	simm.s32 @!p0 $0x1C03  }
0x1a1: {  	[timem:s3], [sflag:s2] =	dma.local @!p0 [hbm:s0], s1  }
0x1a2: {  	s0 =	simm.s32 @!p0 $0x3  }
0x1a3: {  	_ =	swait.ge @!p0 [sflag:s0], s1  }
0x1a4: {  	s1 =	ssub.s32 @!p0 $0x0, s1;
	[sflag:s0] =	ssyncset.done @!p0 $0x0  }
0x1a5: {  	[sflag:s0] =	ssyncadd.s32 @!p0 s1  }
0x1a6: {  	[bflag:$0x3] =	sbarrier.arrive $0xFFFF  }
0x1a7: {  	_ =	shalt  }

</sc_bundles>
